<compile_context>
chip_gen: v7x
topology: tpu7x:2x2x1
jax: 0.10.2.dev20260603
libtpu: 0.0.44.dev20260713+nightly
codegen_flags: <defaults>
</compile_context>

<pallas_src>
import functools

import jax
import jax.numpy as jnp
from jax import lax
from jax.experimental import pallas as pl
from jax.experimental.pallas import tpu as pltpu
from jax.experimental.pallas import tpu_sc as plsc

D_MODEL = 128
CHUNK = 128
NBUF = 4
TABLE_ROWS = 512
LANES = 16


@functools.lru_cache(maxsize=None)
def _make_lookup(nb, d):
    info = plsc.get_sparse_core_info()
    nc, ns = info.num_cores, info.num_subcores
    nw = nc * ns
    b_per_w = nb // nw
    n_chunks = b_per_w // CHUNK
    n_rounds = n_chunks // NBUF
    rows_per_tile = TABLE_ROWS // ns
    mesh = plsc.VectorSubcoreMesh(core_axis_name="c", subcore_axis_name="s")

    @functools.partial(
        pl.kernel,
        mesh=mesh,
        out_type=jax.ShapeDtypeStruct((nb, d), jnp.float32),
        scratch_types=[
            pltpu.VMEM_SHARED((TABLE_ROWS, d), jnp.float32),
            pltpu.VMEM((rows_per_tile, d), jnp.float32),
            pltpu.VMEM((rows_per_tile, d), jnp.float32),
            pltpu.VMEM((n_chunks, CHUNK), jnp.int32),
            pltpu.VMEM((NBUF, CHUNK, d), jnp.float32),
        ]
        + [pltpu.SemaphoreType.DMA] * (2 * NBUF),
    )
    def lookup(emb_hbm, pos_hbm, idx_hbm, out_hbm, table_s, emb_v, pos_v,
               idx_v, rows_v, *sems):
        gsems, ssems = sems[:NBUF], sems[NBUF:]
        sid = lax.axis_index("s")
        wid = sid * nc + lax.axis_index("c")

        t_base = sid * rows_per_tile
        pltpu.sync_copy(emb_hbm.at[pl.ds(t_base, rows_per_tile)], emb_v)
        pltpu.sync_copy(pos_hbm.at[pl.ds(t_base, rows_per_tile)], pos_v)

        def fuse_row(r, carry):
            for j in range(d // LANES):
                sl = pl.ds(j * LANES, LANES)
                emb_v[r, sl] = emb_v[r, sl] + pos_v[r, sl]
            return carry

        lax.fori_loop(0, rows_per_tile, fuse_row, 0)
        pltpu.sync_copy(emb_v, table_s.at[pl.ds(t_base, rows_per_tile)])
        pltpu.sync_copy(idx_hbm.at[wid], idx_v)
        plsc.subcore_barrier()

        base = wid * b_per_w

        def g_copy(b, g):
            return pltpu.make_async_copy(
                table_s.at[idx_v.at[g]], rows_v.at[b], gsems[b]
            )

        def s_copy(b, g):
            return pltpu.make_async_copy(
                rows_v.at[b], out_hbm.at[pl.ds(base + g * CHUNK, CHUNK)], ssems[b]
            )

        def body(t, carry):
            g0 = t * NBUF
            for b in range(NBUF):
                @pl.when(t > 0)
                def _(b=b, g0=g0):
                    s_copy(b, g0 + b - NBUF).wait()

                g_copy(b, g0 + b).start()
            for b in range(NBUF):
                g_copy(b, g0 + b).wait()
                s_copy(b, g0 + b).start()
            return carry

        lax.fori_loop(0, n_rounds, body, 0)
        for b in range(NBUF):
            s_copy(b, n_chunks - NBUF + b).wait()

    return lookup


def kernel(x, emb_table, pos_table):
    b, s = x.shape
    nb = b * s
    info = plsc.get_sparse_core_info()
    nw = info.num_cores * info.num_subcores
    b_per_w = nb // nw
    idx = x.reshape(nw, b_per_w // CHUNK, CHUNK).astype(jnp.int32)
    out = _make_lookup(nb, D_MODEL)(emb_table[:TABLE_ROWS], pos_table, idx)
    return out.reshape(b, s, D_MODEL)

# --- scband reference (transcript-rebuilt; emitter-appended) ---
"""Pipeline reference for scband-positional-embedding-33784212750542 (READ-ONLY COPY).

The authoritative reference and input builder live on the scoring server;
editing this copy changes nothing except your own understanding.
"""

import jax, jax.numpy as jnp
import numpy as np

D_MODEL = 128
VOCAB_SIZE = 100000
MAX_SEQ_LEN = 512
BATCH = 1024
SEQ = 512

FEAT_VOCAB = 1000
FEAT_DIM = int(FEAT_VOCAB ** 0.7)  # 125


def setup_inputs(seed: int = 0) -> dict:
    key = jax.random.key(seed)
    k_idx, k_emb, k_pos = jax.random.split(key, 3)
    # NOTE: the original module indexes BOTH the token embedding (input_dim=vocab_size)
    # and the positional embedding (input_dim=max_seq_len) with the same tensor x,
    # so valid indices must be < max_seq_len to stay in range for both tables.
    x = jax.random.randint(k_idx, (BATCH, SEQ), 0, MAX_SEQ_LEN, dtype=jnp.int64 if jax.config.read('jax_enable_x64') else jnp.int32)
    emb_table = jax.random.normal(k_emb, (VOCAB_SIZE, D_MODEL), dtype=jnp.float32) * 0.05
    pos_table = jax.random.normal(k_pos, (MAX_SEQ_LEN, D_MODEL), dtype=jnp.float32) * 0.05
    return {"x": x, "emb_table": emb_table, "pos_table": pos_table}


def reference(x, emb_table, pos_table):
    # embed = self.embedding(x)
    embed = jnp.take(emb_table, x, axis=0)
    # position = self.pos_encoding(x)  (faithful: indexed with x, not with positions)
    position = jnp.take(pos_table, x, axis=0)
    return embed + position


if False:  # reference __main__ guard neutralized (emitter)
    inp = setup_inputs()
    out = reference(**inp)
    print(out.shape, out.dtype)

if __name__ == "__main__":
    import jax
    _d = setup_inputs()
    print(jax.jit(kernel)(*tuple(_d.values())))

</pallas_src>

<mosaic_0001>
#map = affine_map<(d0, d1) -> (0, 0)>
#map1 = affine_map<(d0, d1) -> (0, 0, 0)>
module attributes {stable_mosaic.version = 14 : i64} {
  func.func @lookup(%arg0: i32, %arg1: i32, %arg2: memref<512x128xf32, #tpu.memory_space<hbm>>, %arg3: memref<512x128xf32, #tpu.memory_space<hbm>>, %arg4: memref<32x128x128xi32, #tpu.memory_space<hbm>>, %arg5: memref<524288x128xf32, #tpu.memory_space<hbm>>, %arg6: memref<512x128xf32, #tpu.memory_space<vmem_shared>>, %arg7: memref<32x128xf32, #tpu.memory_space<vmem>>, %arg8: memref<32x128xf32, #tpu.memory_space<vmem>>, %arg9: memref<128x128xi32, #tpu.memory_space<vmem>>, %arg10: memref<4x128x128xf32, #tpu.memory_space<vmem>>, %arg11: memref<!tpu.dma_semaphore, #tpu.memory_space<semaphore_mem>>, %arg12: memref<!tpu.dma_semaphore, #tpu.memory_space<semaphore_mem>>, %arg13: memref<!tpu.dma_semaphore, #tpu.memory_space<semaphore_mem>>, %arg14: memref<!tpu.dma_semaphore, #tpu.memory_space<semaphore_mem>>, %arg15: memref<!tpu.dma_semaphore, #tpu.memory_space<semaphore_mem>>, %arg16: memref<!tpu.dma_semaphore, #tpu.memory_space<semaphore_mem>>, %arg17: memref<!tpu.dma_semaphore, #tpu.memory_space<semaphore_mem>>, %arg18: memref<!tpu.dma_semaphore, #tpu.memory_space<semaphore_mem>>) attributes {dimension_semantics = [#tpu.dimension_semantics<core_parallel>, #tpu.dimension_semantics<subcore_parallel>], iteration_bounds = array<i64: 2, 16>, scalar_prefetch = 0 : i64, scratch_operands = 13 : i64, tpu.core_type = #tpu.core_type<sc_vector_subcore>, window_params = [{transform_indices = #map}, {transform_indices = #map}, {transform_indices = #map1}, {transform_indices = #map}]} {
    %mul3A = arith.constant 2 : i32
    %mul3A_0 = arith.muli %arg1, %mul3A : i32
    %add3A = arith.addi %mul3A_0, %arg0 : i32
    %mul3A_1 = arith.constant 32 : i32
    %mul3A_2 = arith.muli %arg1, %mul3A_1 : i32
    "tpu.region"() ({
      %run_scoped3A = tpu.sem_alloc : memref<!tpu.dma_semaphore, #tpu.memory_space<semaphore_mem>>
      %dma_start3A = arith.constant 0 : i32
      %dma_start3A_75 = tpu.memref_slice %arg2[%mul3A_2, %dma_start3A] : memref<512x128xf32, #tpu.memory_space<hbm>> -> memref<32x128xf32, #tpu.memory_space<hbm>>
      %dma_start3A_76 = arith.constant 0 : i32
      %dma_start3A_77 = tpu.memref_slice %arg2[%mul3A_2, %dma_start3A_76] : memref<512x128xf32, #tpu.memory_space<hbm>> -> memref<32x128xf32, #tpu.memory_space<hbm>>
      tpu.enqueue_dma source(%dma_start3A_77 : memref<32x128xf32, #tpu.memory_space<hbm>>) target(%arg7 : memref<32x128xf32, #tpu.memory_space<vmem>>) target_semaphore(%run_scoped3A : memref<!tpu.dma_semaphore, #tpu.memory_space<semaphore_mem>>)
      %dma_wait3A_78 = arith.constant 0 : i32
      %dma_wait3A_79 = tpu.memref_slice %arg2[%mul3A_2, %dma_wait3A_78] : memref<512x128xf32, #tpu.memory_space<hbm>> -> memref<32x128xf32, #tpu.memory_space<hbm>>
      %dma_wait3A_80 = arith.constant 0 : i32
      %dma_wait3A_81 = tpu.memref_slice %arg2[%mul3A_2, %dma_wait3A_80] : memref<512x128xf32, #tpu.memory_space<hbm>> -> memref<32x128xf32, #tpu.memory_space<hbm>>
      tpu.wait_dma2 semaphore(%run_scoped3A : memref<!tpu.dma_semaphore, #tpu.memory_space<semaphore_mem>>) src(%dma_wait3A_81 : memref<32x128xf32, #tpu.memory_space<hbm>>) dst(%arg7 : memref<32x128xf32, #tpu.memory_space<vmem>>)
      tpu.yield
    }) : () -> ()
    "tpu.region"() ({
      %run_scoped3A = tpu.sem_alloc : memref<!tpu.dma_semaphore, #tpu.memory_space<semaphore_mem>>
      %dma_start3A = arith.constant 0 : i32
      %dma_start3A_75 = tpu.memref_slice %arg3[%mul3A_2, %dma_start3A] : memref<512x128xf32, #tpu.memory_space<hbm>> -> memref<32x128xf32, #tpu.memory_space<hbm>>
      %dma_start3A_76 = arith.constant 0 : i32
      %dma_start3A_77 = tpu.memref_slice %arg3[%mul3A_2, %dma_start3A_76] : memref<512x128xf32, #tpu.memory_space<hbm>> -> memref<32x128xf32, #tpu.memory_space<hbm>>
      tpu.enqueue_dma source(%dma_start3A_77 : memref<32x128xf32, #tpu.memory_space<hbm>>) target(%arg8 : memref<32x128xf32, #tpu.memory_space<vmem>>) target_semaphore(%run_scoped3A : memref<!tpu.dma_semaphore, #tpu.memory_space<semaphore_mem>>)
      %dma_wait3A_78 = arith.constant 0 : i32
      %dma_wait3A_79 = tpu.memref_slice %arg3[%mul3A_2, %dma_wait3A_78] : memref<512x128xf32, #tpu.memory_space<hbm>> -> memref<32x128xf32, #tpu.memory_space<hbm>>
      %dma_wait3A_80 = arith.constant 0 : i32
      %dma_wait3A_81 = tpu.memref_slice %arg3[%mul3A_2, %dma_wait3A_80] : memref<512x128xf32, #tpu.memory_space<hbm>> -> memref<32x128xf32, #tpu.memory_space<hbm>>
      tpu.wait_dma2 semaphore(%run_scoped3A : memref<!tpu.dma_semaphore, #tpu.memory_space<semaphore_mem>>) src(%dma_wait3A_81 : memref<32x128xf32, #tpu.memory_space<hbm>>) dst(%arg8 : memref<32x128xf32, #tpu.memory_space<vmem>>)
      tpu.yield
    }) : () -> ()
    %scan3A = arith.constant 0 : i32
    %scan3A_3 = arith.constant 0 : i32
    %scan3A_4 = arith.constant 32 : i32
    %scan3A_5 = arith.addi %scan3A_3, %scan3A_4 : i32
    %scan3A_6 = arith.constant 1 : i32
    scf.for %scan3A_75 = %scan3A_3 to %scan3A_5 step %scan3A_6  : i32 {
      %get3A = arith.index_cast %scan3A_75 : i32 to index
      %get3A_76 = arith.constant 0 : index
      %get3A_77 = tpu.vector_load %arg7[%get3A, %get3A_76] {strides = array<i32>} : memref<32x128xf32, #tpu.memory_space<vmem>>, vector<1x16xf32>,
      %get3A_78 = vector.shape_cast %get3A_77 : vector<1x16xf32> to vector<16xf32>
      %get3A_79 = arith.index_cast %scan3A_75 : i32 to index
      %get3A_80 = arith.constant 0 : index
      %get3A_81 = tpu.vector_load %arg8[%get3A_79, %get3A_80] {strides = array<i32>} : memref<32x128xf32, #tpu.memory_space<vmem>>, vector<1x16xf32>,
      %get3A_82 = vector.shape_cast %get3A_81 : vector<1x16xf32> to vector<16xf32>
      %add3A_83 = arith.addf %get3A_78, %get3A_82 : vector<16xf32>
      %swap3A = arith.index_cast %scan3A_75 : i32 to index
      %swap3A_84 = arith.constant 0 : index
      %swap3A_85 = tpu.vector_load %arg7[%swap3A, %swap3A_84] {strides = array<i32>} : memref<32x128xf32, #tpu.memory_space<vmem>>, vector<1x16xf32>,
      %swap3A_86 = vector.shape_cast %swap3A_85 : vector<1x16xf32> to vector<16xf32>
      %swap3A_87 = vector.shape_cast %add3A_83 : vector<16xf32> to vector<1x16xf32>
      tpu.vector_store %arg7[%swap3A, %swap3A_84], %swap3A_87 {strides = array<i32>} : memref<32x128xf32, #tpu.memory_space<vmem>>, vector<1x16xf32>,
      %get3A_88 = arith.index_cast %scan3A_75 : i32 to index
      %get3A_89 = arith.constant 16 : index
      %get3A_90 = tpu.vector_load %arg7[%get3A_88, %get3A_89] {strides = array<i32>} : memref<32x128xf32, #tpu.memory_space<vmem>>, vector<1x16xf32>,
      %get3A_91 = vector.shape_cast %get3A_90 : vector<1x16xf32> to vector<16xf32>
      %get3A_92 = arith.index_cast %scan3A_75 : i32 to index
      %get3A_93 = arith.constant 16 : index
      %get3A_94 = tpu.vector_load %arg8[%get3A_92, %get3A_93] {strides = array<i32>} : memref<32x128xf32, #tpu.memory_space<vmem>>, vector<1x16xf32>,
      %get3A_95 = vector.shape_cast %get3A_94 : vector<1x16xf32> to vector<16xf32>
      %add3A_96 = arith.addf %get3A_91, %get3A_95 : vector<16xf32>
      %swap3A_97 = arith.index_cast %scan3A_75 : i32 to index
      %swap3A_98 = arith.constant 16 : index
      %swap3A_99 = tpu.vector_load %arg7[%swap3A_97, %swap3A_98] {strides = array<i32>} : memref<32x128xf32, #tpu.memory_space<vmem>>, vector<1x16xf32>,
      %swap3A_100 = vector.shape_cast %swap3A_99 : vector<1x16xf32> to vector<16xf32>
      %swap3A_101 = vector.shape_cast %add3A_96 : vector<16xf32> to vector<1x16xf32>
      tpu.vector_store %arg7[%swap3A_97, %swap3A_98], %swap3A_101 {strides = array<i32>} : memref<32x128xf32, #tpu.memory_space<vmem>>, vector<1x16xf32>,
      %get3A_102 = arith.index_cast %scan3A_75 : i32 to index
      %get3A_103 = arith.constant 32 : index
      %get3A_104 = tpu.vector_load %arg7[%get3A_102, %get3A_103] {strides = array<i32>} : memref<32x128xf32, #tpu.memory_space<vmem>>, vector<1x16xf32>,
      %get3A_105 = vector.shape_cast %get3A_104 : vector<1x16xf32> to vector<16xf32>
      %get3A_106 = arith.index_cast %scan3A_75 : i32 to index
      %get3A_107 = arith.constant 32 : index
      %get3A_108 = tpu.vector_load %arg8[%get3A_106, %get3A_107] {strides = array<i32>} : memref<32x128xf32, #tpu.memory_space<vmem>>, vector<1x16xf32>,
      %get3A_109 = vector.shape_cast %get3A_108 : vector<1x16xf32> to vector<16xf32>
      %add3A_110 = arith.addf %get3A_105, %get3A_109 : vector<16xf32>
      %swap3A_111 = arith.index_cast %scan3A_75 : i32 to index
      %swap3A_112 = arith.constant 32 : index
      %swap3A_113 = tpu.vector_load %arg7[%swap3A_111, %swap3A_112] {strides = array<i32>} : memref<32x128xf32, #tpu.memory_space<vmem>>, vector<1x16xf32>,
      %swap3A_114 = vector.shape_cast %swap3A_113 : vector<1x16xf32> to vector<16xf32>
      %swap3A_115 = vector.shape_cast %add3A_110 : vector<16xf32> to vector<1x16xf32>
      tpu.vector_store %arg7[%swap3A_111, %swap3A_112], %swap3A_115 {strides = array<i32>} : memref<32x128xf32, #tpu.memory_space<vmem>>, vector<1x16xf32>,
      %get3A_116 = arith.index_cast %scan3A_75 : i32 to index
      %get3A_117 = arith.constant 48 : index
      %get3A_118 = tpu.vector_load %arg7[%get3A_116, %get3A_117] {strides = array<i32>} : memref<32x128xf32, #tpu.memory_space<vmem>>, vector<1x16xf32>,
      %get3A_119 = vector.shape_cast %get3A_118 : vector<1x16xf32> to vector<16xf32>
      %get3A_120 = arith.index_cast %scan3A_75 : i32 to index
      %get3A_121 = arith.constant 48 : index
      %get3A_122 = tpu.vector_load %arg8[%get3A_120, %get3A_121] {strides = array<i32>} : memref<32x128xf32, #tpu.memory_space<vmem>>, vector<1x16xf32>,
      %get3A_123 = vector.shape_cast %get3A_122 : vector<1x16xf32> to vector<16xf32>
      %add3A_124 = arith.addf %get3A_119, %get3A_123 : vector<16xf32>
      %swap3A_125 = arith.index_cast %scan3A_75 : i32 to index
      %swap3A_126 = arith.constant 48 : index
      %swap3A_127 = tpu.vector_load %arg7[%swap3A_125, %swap3A_126] {strides = array<i32>} : memref<32x128xf32, #tpu.memory_space<vmem>>, vector<1x16xf32>,
      %swap3A_128 = vector.shape_cast %swap3A_127 : vector<1x16xf32> to vector<16xf32>
      %swap3A_129 = vector.shape_cast %add3A_124 : vector<16xf32> to vector<1x16xf32>
      tpu.vector_store %arg7[%swap3A_125, %swap3A_126], %swap3A_129 {strides = array<i32>} : memref<32x128xf32, #tpu.memory_space<vmem>>, vector<1x16xf32>,
      %get3A_130 = arith.index_cast %scan3A_75 : i32 to index
      %get3A_131 = arith.constant 64 : index
      %get3A_132 = tpu.vector_load %arg7[%get3A_130, %get3A_131] {strides = array<i32>} : memref<32x128xf32, #tpu.memory_space<vmem>>, vector<1x16xf32>,
      %get3A_133 = vector.shape_cast %get3A_132 : vector<1x16xf32> to vector<16xf32>
      %get3A_134 = arith.index_cast %scan3A_75 : i32 to index
      %get3A_135 = arith.constant 64 : index
      %get3A_136 = tpu.vector_load %arg8[%get3A_134, %get3A_135] {strides = array<i32>} : memref<32x128xf32, #tpu.memory_space<vmem>>, vector<1x16xf32>,
      %get3A_137 = vector.shape_cast %get3A_136 : vector<1x16xf32> to vector<16xf32>
      %add3A_138 = arith.addf %get3A_133, %get3A_137 : vector<16xf32>
      %swap3A_139 = arith.index_cast %scan3A_75 : i32 to index
      %swap3A_140 = arith.constant 64 : index
      %swap3A_141 = tpu.vector_load %arg7[%swap3A_139, %swap3A_140] {strides = array<i32>} : memref<32x128xf32, #tpu.memory_space<vmem>>, vector<1x16xf32>,
      %swap3A_142 = vector.shape_cast %swap3A_141 : vector<1x16xf32> to vector<16xf32>
      %swap3A_143 = vector.shape_cast %add3A_138 : vector<16xf32> to vector<1x16xf32>
      tpu.vector_store %arg7[%swap3A_139, %swap3A_140], %swap3A_143 {strides = array<i32>} : memref<32x128xf32, #tpu.memory_space<vmem>>, vector<1x16xf32>,
      %get3A_144 = arith.index_cast %scan3A_75 : i32 to index
      %get3A_145 = arith.constant 80 : index
      %get3A_146 = tpu.vector_load %arg7[%get3A_144, %get3A_145] {strides = array<i32>} : memref<32x128xf32, #tpu.memory_space<vmem>>, vector<1x16xf32>,
      %get3A_147 = vector.shape_cast %get3A_146 : vector<1x16xf32> to vector<16xf32>
      %get3A_148 = arith.index_cast %scan3A_75 : i32 to index
      %get3A_149 = arith.constant 80 : index
      %get3A_150 = tpu.vector_load %arg8[%get3A_148, %get3A_149] {strides = array<i32>} : memref<32x128xf32, #tpu.memory_space<vmem>>, vector<1x16xf32>,
      %get3A_151 = vector.shape_cast %get3A_150 : vector<1x16xf32> to vector<16xf32>
      %add3A_152 = arith.addf %get3A_147, %get3A_151 : vector<16xf32>
      %swap3A_153 = arith.index_cast %scan3A_75 : i32 to index
      %swap3A_154 = arith.constant 80 : index
      %swap3A_155 = tpu.vector_load %arg7[%swap3A_153, %swap3A_154] {strides = array<i32>} : memref<32x128xf32, #tpu.memory_space<vmem>>, vector<1x16xf32>,
      %swap3A_156 = vector.shape_cast %swap3A_155 : vector<1x16xf32> to vector<16xf32>
      %swap3A_157 = vector.shape_cast %add3A_152 : vector<16xf32> to vector<1x16xf32>
      tpu.vector_store %arg7[%swap3A_153, %swap3A_154], %swap3A_157 {strides = array<i32>} : memref<32x128xf32, #tpu.memory_space<vmem>>, vector<1x16xf32>,
      %get3A_158 = arith.index_cast %scan3A_75 : i32 to index
      %get3A_159 = arith.constant 96 : index
      %get3A_160 = tpu.vector_load %arg7[%get3A_158, %get3A_159] {strides = array<i32>} : memref<32x128xf32, #tpu.memory_space<vmem>>, vector<1x16xf32>,
      %get3A_161 = vector.shape_cast %get3A_160 : vector<1x16xf32> to vector<16xf32>
      %get3A_162 = arith.index_cast %scan3A_75 : i32 to index
      %get3A_163 = arith.constant 96 : index
      %get3A_164 = tpu.vector_load %arg8[%get3A_162, %get3A_163] {strides = array<i32>} : memref<32x128xf32, #tpu.memory_space<vmem>>, vector<1x16xf32>,
      %get3A_165 = vector.shape_cast %get3A_164 : vector<1x16xf32> to vector<16xf32>
      %add3A_166 = arith.addf %get3A_161, %get3A_165 : vector<16xf32>
      %swap3A_167 = arith.index_cast %scan3A_75 : i32 to index
      %swap3A_168 = arith.constant 96 : index
      %swap3A_169 = tpu.vector_load %arg7[%swap3A_167, %swap3A_168] {strides = array<i32>} : memref<32x128xf32, #tpu.memory_space<vmem>>, vector<1x16xf32>,
      %swap3A_170 = vector.shape_cast %swap3A_169 : vector<1x16xf32> to vector<16xf32>
      %swap3A_171 = vector.shape_cast %add3A_166 : vector<16xf32> to vector<1x16xf32>
      tpu.vector_store %arg7[%swap3A_167, %swap3A_168], %swap3A_171 {strides = array<i32>} : memref<32x128xf32, #tpu.memory_space<vmem>>, vector<1x16xf32>,
      %get3A_172 = arith.index_cast %scan3A_75 : i32 to index
      %get3A_173 = arith.constant 112 : index
      %get3A_174 = tpu.vector_load %arg7[%get3A_172, %get3A_173] {strides = array<i32>} : memref<32x128xf32, #tpu.memory_space<vmem>>, vector<1x16xf32>,
      %get3A_175 = vector.shape_cast %get3A_174 : vector<1x16xf32> to vector<16xf32>
      %get3A_176 = arith.index_cast %scan3A_75 : i32 to index
      %get3A_177 = arith.constant 112 : index
      %get3A_178 = tpu.vector_load %arg8[%get3A_176, %get3A_177] {strides = array<i32>} : memref<32x128xf32, #tpu.memory_space<vmem>>, vector<1x16xf32>,
      %get3A_179 = vector.shape_cast %get3A_178 : vector<1x16xf32> to vector<16xf32>
      %add3A_180 = arith.addf %get3A_175, %get3A_179 : vector<16xf32>
      %swap3A_181 = arith.index_cast %scan3A_75 : i32 to index
      %swap3A_182 = arith.constant 112 : index
      %swap3A_183 = tpu.vector_load %arg7[%swap3A_181, %swap3A_182] {strides = array<i32>} : memref<32x128xf32, #tpu.memory_space<vmem>>, vector<1x16xf32>,
      %swap3A_184 = vector.shape_cast %swap3A_183 : vector<1x16xf32> to vector<16xf32>
      %swap3A_185 = vector.shape_cast %add3A_180 : vector<16xf32> to vector<1x16xf32>
      tpu.vector_store %arg7[%swap3A_181, %swap3A_182], %swap3A_185 {strides = array<i32>} : memref<32x128xf32, #tpu.memory_space<vmem>>, vector<1x16xf32>,
    }
    %scan3A_7 = arith.constant 32 : i32
    "tpu.region"() ({
      %run_scoped3A = tpu.sem_alloc : memref<!tpu.dma_semaphore, #tpu.memory_space<semaphore_mem>>
      %dma_start3A = arith.constant 0 : i32
      %dma_start3A_75 = tpu.memref_slice %arg6[%mul3A_2, %dma_start3A] : memref<512x128xf32, #tpu.memory_space<vmem_shared>> -> memref<32x128xf32, #tpu.memory_space<vmem_shared>>
      %dma_start3A_76 = arith.constant 0 : i32
      %dma_start3A_77 = tpu.memref_slice %arg6[%mul3A_2, %dma_start3A_76] : memref<512x128xf32, #tpu.memory_space<vmem_shared>> -> memref<32x128xf32, #tpu.memory_space<vmem_shared>>
      tpu.enqueue_dma source(%arg7 : memref<32x128xf32, #tpu.memory_space<vmem>>) target(%dma_start3A_77 : memref<32x128xf32, #tpu.memory_space<vmem_shared>>) target_semaphore(%run_scoped3A : memref<!tpu.dma_semaphore, #tpu.memory_space<semaphore_mem>>)
      %dma_wait3A_78 = arith.constant 0 : i32
      %dma_wait3A_79 = tpu.memref_slice %arg6[%mul3A_2, %dma_wait3A_78] : memref<512x128xf32, #tpu.memory_space<vmem_shared>> -> memref<32x128xf32, #tpu.memory_space<vmem_shared>>
      %dma_wait3A_80 = arith.constant 0 : i32
      %dma_wait3A_81 = tpu.memref_slice %arg6[%mul3A_2, %dma_wait3A_80] : memref<512x128xf32, #tpu.memory_space<vmem_shared>> -> memref<32x128xf32, #tpu.memory_space<vmem_shared>>
      tpu.wait_dma2 semaphore(%run_scoped3A : memref<!tpu.dma_semaphore, #tpu.memory_space<semaphore_mem>>) src(%arg7 : memref<32x128xf32, #tpu.memory_space<vmem>>) dst(%dma_wait3A_81 : memref<32x128xf32, #tpu.memory_space<vmem_shared>>)
      tpu.yield
    }) : () -> ()
    "tpu.region"() ({
      %run_scoped3A = tpu.sem_alloc : memref<!tpu.dma_semaphore, #tpu.memory_space<semaphore_mem>>
      %dma_start3A = arith.constant 0 : i32
      %dma_start3A_75 = arith.constant 0 : i32
      %dma_start3A_76 = tpu.memref_slice %arg4[%add3A, %dma_start3A, %dma_start3A_75] : memref<32x128x128xi32, #tpu.memory_space<hbm>> -> memref<1x128x128xi32, #tpu.memory_space<hbm>>
      %dma_start3A_77 = tpu.memref_squeeze %dma_start3A_76 : memref<1x128x128xi32, #tpu.memory_space<hbm>> -> memref<128x128xi32, #tpu.memory_space<hbm>>
      %dma_start3A_78 = arith.constant 0 : i32
      %dma_start3A_79 = arith.constant 0 : i32
      %dma_start3A_80 = tpu.memref_slice %arg4[%add3A, %dma_start3A_78, %dma_start3A_79] : memref<32x128x128xi32, #tpu.memory_space<hbm>> -> memref<1x128x128xi32, #tpu.memory_space<hbm>>
      %dma_start3A_81 = tpu.memref_squeeze %dma_start3A_80 : memref<1x128x128xi32, #tpu.memory_space<hbm>> -> memref<128x128xi32, #tpu.memory_space<hbm>>
      tpu.enqueue_dma source(%dma_start3A_81 : memref<128x128xi32, #tpu.memory_space<hbm>>) target(%arg9 : memref<128x128xi32, #tpu.memory_space<vmem>>) target_semaphore(%run_scoped3A : memref<!tpu.dma_semaphore, #tpu.memory_space<semaphore_mem>>)
      %dma_wait3A_82 = arith.constant 0 : i32
      %dma_wait3A_83 = arith.constant 0 : i32
      %dma_wait3A_84 = tpu.memref_slice %arg4[%add3A, %dma_wait3A_82, %dma_wait3A_83] : memref<32x128x128xi32, #tpu.memory_space<hbm>> -> memref<1x128x128xi32, #tpu.memory_space<hbm>>
      %dma_wait3A_85 = tpu.memref_squeeze %dma_wait3A_84 : memref<1x128x128xi32, #tpu.memory_space<hbm>> -> memref<128x128xi32, #tpu.memory_space<hbm>>
      %dma_wait3A_86 = arith.constant 0 : i32
      %dma_wait3A_87 = arith.constant 0 : i32
      %dma_wait3A_88 = tpu.memref_slice %arg4[%add3A, %dma_wait3A_86, %dma_wait3A_87] : memref<32x128x128xi32, #tpu.memory_space<hbm>> -> memref<1x128x128xi32, #tpu.memory_space<hbm>>
      %dma_wait3A_89 = tpu.memref_squeeze %dma_wait3A_88 : memref<1x128x128xi32, #tpu.memory_space<hbm>> -> memref<128x128xi32, #tpu.memory_space<hbm>>
      tpu.wait_dma2 semaphore(%run_scoped3A : memref<!tpu.dma_semaphore, #tpu.memory_space<semaphore_mem>>) src(%dma_wait3A_89 : memref<128x128xi32, #tpu.memory_space<hbm>>) dst(%arg9 : memref<128x128xi32, #tpu.memory_space<vmem>>)
      tpu.yield
    }) : () -> ()
    %barrier3A = arith.constant 0 : index
    tpu.barrier barrier_id(%barrier3A)
    %mul3A_8 = arith.constant 16384 : i32
    %mul3A_9 = arith.muli %add3A, %mul3A_8 : i32
    %scan3A_10 = arith.constant 0 : i32
    %scan3A_11 = arith.constant 0 : i32
    %scan3A_12 = arith.constant 32 : i32
    %scan3A_13 = arith.addi %scan3A_11, %scan3A_12 : i32
    %scan3A_14 = arith.constant 1 : i32
    scf.for %scan3A_75 = %scan3A_11 to %scan3A_13 step %scan3A_14  : i32 {
      %mul3A_76 = arith.constant 4 : i32
      %mul3A_77 = arith.muli %scan3A_75, %mul3A_76 : i32
      %gt3A = arith.constant 0 : i32
      %gt3A_78 = arith.cmpi sgt, %scan3A_75, %gt3A : i32
      %convert_element_type3A = arith.extui %gt3A_78 : i1 to i32
      %cond3A = arith.constant 0 : i32
      %cond3A_79 = arith.cmpi ne, %convert_element_type3A, %cond3A : i32
      scf.if %cond3A_79 {
        %add3A_270 = arith.constant 0 : i32
        %add3A_271 = arith.addi %mul3A_77, %add3A_270 : i32
        %sub3A = arith.constant 4 : i32
        %sub3A_272 = arith.subi %add3A_271, %sub3A : i32
        %mul3A_273 = arith.constant 128 : i32
        %mul3A_274 = arith.muli %sub3A_272, %mul3A_273 : i32
        %add3A_275 = arith.addi %mul3A_9, %mul3A_274 : i32
        %dma_wait3A_276 = arith.constant 0 : i32
        %dma_wait3A_277 = arith.constant 0 : i32
        %dma_wait3A_278 = arith.constant 0 : i32
        %dma_wait3A_279 = tpu.memref_slice %arg10[%dma_wait3A_276, %dma_wait3A_277, %dma_wait3A_278] : memref<4x128x128xf32, #tpu.memory_space<vmem>> -> memref<1x128x128xf32, #tpu.memory_space<vmem>>
        %dma_wait3A_280 = tpu.memref_squeeze %dma_wait3A_279 : memref<1x128x128xf32, #tpu.memory_space<vmem>> -> memref<128x128xf32, #tpu.memory_space<vmem>>
        %dma_wait3A_281 = arith.constant 0 : i32
        %dma_wait3A_282 = tpu.memref_slice %arg5[%add3A_275, %dma_wait3A_281] : memref<524288x128xf32, #tpu.memory_space<hbm>> -> memref<128x128xf32, #tpu.memory_space<hbm>>
        %dma_wait3A_283 = arith.constant 0 : i32
        %dma_wait3A_284 = tpu.memref_slice %arg5[%add3A_275, %dma_wait3A_283] : memref<524288x128xf32, #tpu.memory_space<hbm>> -> memref<128x128xf32, #tpu.memory_space<hbm>>
        %dma_wait3A_285 = arith.constant 0 : i32
        %dma_wait3A_286 = arith.constant 0 : i32
        %dma_wait3A_287 = tpu.memref_slice %arg10[%dma_wait3A_276, %dma_wait3A_285, %dma_wait3A_286] : memref<4x128x128xf32, #tpu.memory_space<vmem>> -> memref<1x128x128xf32, #tpu.memory_space<vmem>>
        %dma_wait3A_288 = tpu.memref_squeeze %dma_wait3A_287 : memref<1x128x128xf32, #tpu.memory_space<vmem>> -> memref<128x128xf32, #tpu.memory_space<vmem>>
        tpu.wait_dma2 semaphore(%arg15 : memref<!tpu.dma_semaphore, #tpu.memory_space<semaphore_mem>>) src(%dma_wait3A_288 : memref<128x128xf32, #tpu.memory_space<vmem>>) dst(%dma_wait3A_284 : memref<128x128xf32, #tpu.memory_space<hbm>>)
      } else {
      }
      %add3A_80 = arith.constant 0 : i32
      %add3A_81 = arith.addi %mul3A_77, %add3A_80 : i32
      %dma_start3A = arith.constant 0 : i32
      %dma_start3A_82 = arith.constant 0 : i32
      %dma_start3A_83 = arith.constant 0 : i32
      %dma_start3A_84 = tpu.memref_slice %arg10[%dma_start3A, %dma_start3A_82, %dma_start3A_83] : memref<4x128x128xf32, #tpu.memory_space<vmem>> -> memref<1x128x128xf32, #tpu.memory_space<vmem>>
      %dma_start3A_85 = tpu.memref_squeeze %dma_start3A_84 : memref<1x128x128xf32, #tpu.memory_space<vmem>> -> memref<128x128xf32, #tpu.memory_space<vmem>>
      %dma_start3A_86 = arith.constant 0 : i32
      %dma_start3A_87 = tpu.memref_slice %arg9[%add3A_81, %dma_start3A_86] : memref<128x128xi32, #tpu.memory_space<vmem>> -> memref<1x128xi32, #tpu.memory_space<vmem>>
      %dma_start3A_88 = tpu.memref_squeeze %dma_start3A_87 : memref<1x128xi32, #tpu.memory_space<vmem>> -> memref<128xi32, #tpu.memory_space<vmem>>
      %dma_start3A_89 = arith.constant 0 : i32
      %dma_start3A_90 = arith.constant 0 : i32
      %dma_start3A_91 = tpu.memref_slice %arg6[%dma_start3A_89, %dma_start3A_90] : memref<512x128xf32, #tpu.memory_space<vmem_shared>> -> memref<512x128xf32, #tpu.memory_space<vmem_shared>>
      tpu.enqueue_indirect_dma source(%dma_start3A_91 : memref<512x128xf32, #tpu.memory_space<vmem_shared>>) target(%dma_start3A_85 : memref<128x128xf32, #tpu.memory_space<vmem>>) offsets(%dma_start3A_88 : memref<128xi32, #tpu.memory_space<vmem>>) semaphore(%arg11 : memref<!tpu.dma_semaphore, #tpu.memory_space<semaphore_mem>>)
      %gt3A_92 = arith.constant 0 : i32
      %gt3A_93 = arith.cmpi sgt, %scan3A_75, %gt3A_92 : i32
      %convert_element_type3A_94 = arith.extui %gt3A_93 : i1 to i32
      %cond3A_95 = arith.constant 0 : i32
      %cond3A_96 = arith.cmpi ne, %convert_element_type3A_94, %cond3A_95 : i32
      scf.if %cond3A_96 {
        %add3A_270 = arith.constant 1 : i32
        %add3A_271 = arith.addi %mul3A_77, %add3A_270 : i32
        %sub3A = arith.constant 4 : i32
        %sub3A_272 = arith.subi %add3A_271, %sub3A : i32
        %mul3A_273 = arith.constant 128 : i32
        %mul3A_274 = arith.muli %sub3A_272, %mul3A_273 : i32
        %add3A_275 = arith.addi %mul3A_9, %mul3A_274 : i32
        %dma_wait3A_276 = arith.constant 1 : i32
        %dma_wait3A_277 = arith.constant 0 : i32
        %dma_wait3A_278 = arith.constant 0 : i32
        %dma_wait3A_279 = tpu.memref_slice %arg10[%dma_wait3A_276, %dma_wait3A_277, %dma_wait3A_278] : memref<4x128x128xf32, #tpu.memory_space<vmem>> -> memref<1x128x128xf32, #tpu.memory_space<vmem>>
        %dma_wait3A_280 = tpu.memref_squeeze %dma_wait3A_279 : memref<1x128x128xf32, #tpu.memory_space<vmem>> -> memref<128x128xf32, #tpu.memory_space<vmem>>
        %dma_wait3A_281 = arith.constant 0 : i32
        %dma_wait3A_282 = tpu.memref_slice %arg5[%add3A_275, %dma_wait3A_281] : memref<524288x128xf32, #tpu.memory_space<hbm>> -> memref<128x128xf32, #tpu.memory_space<hbm>>
        %dma_wait3A_283 = arith.constant 0 : i32
        %dma_wait3A_284 = tpu.memref_slice %arg5[%add3A_275, %dma_wait3A_283] : memref<524288x128xf32, #tpu.memory_space<hbm>> -> memref<128x128xf32, #tpu.memory_space<hbm>>
        %dma_wait3A_285 = arith.constant 0 : i32
        %dma_wait3A_286 = arith.constant 0 : i32
        %dma_wait3A_287 = tpu.memref_slice %arg10[%dma_wait3A_276, %dma_wait3A_285, %dma_wait3A_286] : memref<4x128x128xf32, #tpu.memory_space<vmem>> -> memref<1x128x128xf32, #tpu.memory_space<vmem>>
        %dma_wait3A_288 = tpu.memref_squeeze %dma_wait3A_287 : memref<1x128x128xf32, #tpu.memory_space<vmem>> -> memref<128x128xf32, #tpu.memory_space<vmem>>
        tpu.wait_dma2 semaphore(%arg16 : memref<!tpu.dma_semaphore, #tpu.memory_space<semaphore_mem>>) src(%dma_wait3A_288 : memref<128x128xf32, #tpu.memory_space<vmem>>) dst(%dma_wait3A_284 : memref<128x128xf32, #tpu.memory_space<hbm>>)
      } else {
      }
      %add3A_97 = arith.constant 1 : i32
      %add3A_98 = arith.addi %mul3A_77, %add3A_97 : i32
      %dma_start3A_99 = arith.constant 1 : i32
      %dma_start3A_100 = arith.constant 0 : i32
      %dma_start3A_101 = arith.constant 0 : i32
      %dma_start3A_102 = tpu.memref_slice %arg10[%dma_start3A_99, %dma_start3A_100, %dma_start3A_101] : memref<4x128x128xf32, #tpu.memory_space<vmem>> -> memref<1x128x128xf32, #tpu.memory_space<vmem>>
      %dma_start3A_103 = tpu.memref_squeeze %dma_start3A_102 : memref<1x128x128xf32, #tpu.memory_space<vmem>> -> memref<128x128xf32, #tpu.memory_space<vmem>>
      %dma_start3A_104 = arith.constant 0 : i32
      %dma_start3A_105 = tpu.memref_slice %arg9[%add3A_98, %dma_start3A_104] : memref<128x128xi32, #tpu.memory_space<vmem>> -> memref<1x128xi32, #tpu.memory_space<vmem>>
      %dma_start3A_106 = tpu.memref_squeeze %dma_start3A_105 : memref<1x128xi32, #tpu.memory_space<vmem>> -> memref<128xi32, #tpu.memory_space<vmem>>
      %dma_start3A_107 = arith.constant 0 : i32
      %dma_start3A_108 = arith.constant 0 : i32
      %dma_start3A_109 = tpu.memref_slice %arg6[%dma_start3A_107, %dma_start3A_108] : memref<512x128xf32, #tpu.memory_space<vmem_shared>> -> memref<512x128xf32, #tpu.memory_space<vmem_shared>>
      tpu.enqueue_indirect_dma source(%dma_start3A_109 : memref<512x128xf32, #tpu.memory_space<vmem_shared>>) target(%dma_start3A_103 : memref<128x128xf32, #tpu.memory_space<vmem>>) offsets(%dma_start3A_106 : memref<128xi32, #tpu.memory_space<vmem>>) semaphore(%arg12 : memref<!tpu.dma_semaphore, #tpu.memory_space<semaphore_mem>>)
      %gt3A_110 = arith.constant 0 : i32
      %gt3A_111 = arith.cmpi sgt, %scan3A_75, %gt3A_110 : i32
      %convert_element_type3A_112 = arith.extui %gt3A_111 : i1 to i32
      %cond3A_113 = arith.constant 0 : i32
      %cond3A_114 = arith.cmpi ne, %convert_element_type3A_112, %cond3A_113 : i32
      scf.if %cond3A_114 {
        %add3A_270 = arith.constant 2 : i32
        %add3A_271 = arith.addi %mul3A_77, %add3A_270 : i32
        %sub3A = arith.constant 4 : i32
        %sub3A_272 = arith.subi %add3A_271, %sub3A : i32
        %mul3A_273 = arith.constant 128 : i32
        %mul3A_274 = arith.muli %sub3A_272, %mul3A_273 : i32
        %add3A_275 = arith.addi %mul3A_9, %mul3A_274 : i32
        %dma_wait3A_276 = arith.constant 2 : i32
        %dma_wait3A_277 = arith.constant 0 : i32
        %dma_wait3A_278 = arith.constant 0 : i32
        %dma_wait3A_279 = tpu.memref_slice %arg10[%dma_wait3A_276, %dma_wait3A_277, %dma_wait3A_278] : memref<4x128x128xf32, #tpu.memory_space<vmem>> -> memref<1x128x128xf32, #tpu.memory_space<vmem>>
        %dma_wait3A_280 = tpu.memref_squeeze %dma_wait3A_279 : memref<1x128x128xf32, #tpu.memory_space<vmem>> -> memref<128x128xf32, #tpu.memory_space<vmem>>
        %dma_wait3A_281 = arith.constant 0 : i32
        %dma_wait3A_282 = tpu.memref_slice %arg5[%add3A_275, %dma_wait3A_281] : memref<524288x128xf32, #tpu.memory_space<hbm>> -> memref<128x128xf32, #tpu.memory_space<hbm>>
        %dma_wait3A_283 = arith.constant 0 : i32
        %dma_wait3A_284 = tpu.memref_slice %arg5[%add3A_275, %dma_wait3A_283] : memref<524288x128xf32, #tpu.memory_space<hbm>> -> memref<128x128xf32, #tpu.memory_space<hbm>>
        %dma_wait3A_285 = arith.constant 0 : i32
        %dma_wait3A_286 = arith.constant 0 : i32
        %dma_wait3A_287 = tpu.memref_slice %arg10[%dma_wait3A_276, %dma_wait3A_285, %dma_wait3A_286] : memref<4x128x128xf32, #tpu.memory_space<vmem>> -> memref<1x128x128xf32, #tpu.memory_space<vmem>>
        %dma_wait3A_288 = tpu.memref_squeeze %dma_wait3A_287 : memref<1x128x128xf32, #tpu.memory_space<vmem>> -> memref<128x128xf32, #tpu.memory_space<vmem>>
        tpu.wait_dma2 semaphore(%arg17 : memref<!tpu.dma_semaphore, #tpu.memory_space<semaphore_mem>>) src(%dma_wait3A_288 : memref<128x128xf32, #tpu.memory_space<vmem>>) dst(%dma_wait3A_284 : memref<128x128xf32, #tpu.memory_space<hbm>>)
      } else {
      }
      %add3A_115 = arith.constant 2 : i32
      %add3A_116 = arith.addi %mul3A_77, %add3A_115 : i32
      %dma_start3A_117 = arith.constant 2 : i32
      %dma_start3A_118 = arith.constant 0 : i32
      %dma_start3A_119 = arith.constant 0 : i32
      %dma_start3A_120 = tpu.memref_slice %arg10[%dma_start3A_117, %dma_start3A_118, %dma_start3A_119] : memref<4x128x128xf32, #tpu.memory_space<vmem>> -> memref<1x128x128xf32, #tpu.memory_space<vmem>>
      %dma_start3A_121 = tpu.memref_squeeze %dma_start3A_120 : memref<1x128x128xf32, #tpu.memory_space<vmem>> -> memref<128x128xf32, #tpu.memory_space<vmem>>
      %dma_start3A_122 = arith.constant 0 : i32
      %dma_start3A_123 = tpu.memref_slice %arg9[%add3A_116, %dma_start3A_122] : memref<128x128xi32, #tpu.memory_space<vmem>> -> memref<1x128xi32, #tpu.memory_space<vmem>>
      %dma_start3A_124 = tpu.memref_squeeze %dma_start3A_123 : memref<1x128xi32, #tpu.memory_space<vmem>> -> memref<128xi32, #tpu.memory_space<vmem>>
      %dma_start3A_125 = arith.constant 0 : i32
      %dma_start3A_126 = arith.constant 0 : i32
      %dma_start3A_127 = tpu.memref_slice %arg6[%dma_start3A_125, %dma_start3A_126] : memref<512x128xf32, #tpu.memory_space<vmem_shared>> -> memref<512x128xf32, #tpu.memory_space<vmem_shared>>
      tpu.enqueue_indirect_dma source(%dma_start3A_127 : memref<512x128xf32, #tpu.memory_space<vmem_shared>>) target(%dma_start3A_121 : memref<128x128xf32, #tpu.memory_space<vmem>>) offsets(%dma_start3A_124 : memref<128xi32, #tpu.memory_space<vmem>>) semaphore(%arg13 : memref<!tpu.dma_semaphore, #tpu.memory_space<semaphore_mem>>)
      %gt3A_128 = arith.constant 0 : i32
      %gt3A_129 = arith.cmpi sgt, %scan3A_75, %gt3A_128 : i32
      %convert_element_type3A_130 = arith.extui %gt3A_129 : i1 to i32
      %cond3A_131 = arith.constant 0 : i32
      %cond3A_132 = arith.cmpi ne, %convert_element_type3A_130, %cond3A_131 : i32
      scf.if %cond3A_132 {
        %add3A_270 = arith.constant 3 : i32
        %add3A_271 = arith.addi %mul3A_77, %add3A_270 : i32
        %sub3A = arith.constant 4 : i32
        %sub3A_272 = arith.subi %add3A_271, %sub3A : i32
        %mul3A_273 = arith.constant 128 : i32
        %mul3A_274 = arith.muli %sub3A_272, %mul3A_273 : i32
        %add3A_275 = arith.addi %mul3A_9, %mul3A_274 : i32
        %dma_wait3A_276 = arith.constant 3 : i32
        %dma_wait3A_277 = arith.constant 0 : i32
        %dma_wait3A_278 = arith.constant 0 : i32
        %dma_wait3A_279 = tpu.memref_slice %arg10[%dma_wait3A_276, %dma_wait3A_277, %dma_wait3A_278] : memref<4x128x128xf32, #tpu.memory_space<vmem>> -> memref<1x128x128xf32, #tpu.memory_space<vmem>>
        %dma_wait3A_280 = tpu.memref_squeeze %dma_wait3A_279 : memref<1x128x128xf32, #tpu.memory_space<vmem>> -> memref<128x128xf32, #tpu.memory_space<vmem>>
        %dma_wait3A_281 = arith.constant 0 : i32
        %dma_wait3A_282 = tpu.memref_slice %arg5[%add3A_275, %dma_wait3A_281] : memref<524288x128xf32, #tpu.memory_space<hbm>> -> memref<128x128xf32, #tpu.memory_space<hbm>>
        %dma_wait3A_283 = arith.constant 0 : i32
        %dma_wait3A_284 = tpu.memref_slice %arg5[%add3A_275, %dma_wait3A_283] : memref<524288x128xf32, #tpu.memory_space<hbm>> -> memref<128x128xf32, #tpu.memory_space<hbm>>
        %dma_wait3A_285 = arith.constant 0 : i32
        %dma_wait3A_286 = arith.constant 0 : i32
        %dma_wait3A_287 = tpu.memref_slice %arg10[%dma_wait3A_276, %dma_wait3A_285, %dma_wait3A_286] : memref<4x128x128xf32, #tpu.memory_space<vmem>> -> memref<1x128x128xf32, #tpu.memory_space<vmem>>
        %dma_wait3A_288 = tpu.memref_squeeze %dma_wait3A_287 : memref<1x128x128xf32, #tpu.memory_space<vmem>> -> memref<128x128xf32, #tpu.memory_space<vmem>>
        tpu.wait_dma2 semaphore(%arg18 : memref<!tpu.dma_semaphore, #tpu.memory_space<semaphore_mem>>) src(%dma_wait3A_288 : memref<128x128xf32, #tpu.memory_space<vmem>>) dst(%dma_wait3A_284 : memref<128x128xf32, #tpu.memory_space<hbm>>)
      } else {
      }
      %add3A_133 = arith.constant 3 : i32
      %add3A_134 = arith.addi %mul3A_77, %add3A_133 : i32
      %dma_start3A_135 = arith.constant 3 : i32
      %dma_start3A_136 = arith.constant 0 : i32
      %dma_start3A_137 = arith.constant 0 : i32
      %dma_start3A_138 = tpu.memref_slice %arg10[%dma_start3A_135, %dma_start3A_136, %dma_start3A_137] : memref<4x128x128xf32, #tpu.memory_space<vmem>> -> memref<1x128x128xf32, #tpu.memory_space<vmem>>
      %dma_start3A_139 = tpu.memref_squeeze %dma_start3A_138 : memref<1x128x128xf32, #tpu.memory_space<vmem>> -> memref<128x128xf32, #tpu.memory_space<vmem>>
      %dma_start3A_140 = arith.constant 0 : i32
      %dma_start3A_141 = tpu.memref_slice %arg9[%add3A_134, %dma_start3A_140] : memref<128x128xi32, #tpu.memory_space<vmem>> -> memref<1x128xi32, #tpu.memory_space<vmem>>
      %dma_start3A_142 = tpu.memref_squeeze %dma_start3A_141 : memref<1x128xi32, #tpu.memory_space<vmem>> -> memref<128xi32, #tpu.memory_space<vmem>>
      %dma_start3A_143 = arith.constant 0 : i32
      %dma_start3A_144 = arith.constant 0 : i32
      %dma_start3A_145 = tpu.memref_slice %arg6[%dma_start3A_143, %dma_start3A_144] : memref<512x128xf32, #tpu.memory_space<vmem_shared>> -> memref<512x128xf32, #tpu.memory_space<vmem_shared>>
      tpu.enqueue_indirect_dma source(%dma_start3A_145 : memref<512x128xf32, #tpu.memory_space<vmem_shared>>) target(%dma_start3A_139 : memref<128x128xf32, #tpu.memory_space<vmem>>) offsets(%dma_start3A_142 : memref<128xi32, #tpu.memory_space<vmem>>) semaphore(%arg14 : memref<!tpu.dma_semaphore, #tpu.memory_space<semaphore_mem>>)
      %add3A_146 = arith.constant 0 : i32
      %add3A_147 = arith.addi %mul3A_77, %add3A_146 : i32
      %dma_wait3A_148 = arith.constant 0 : i32
      %dma_wait3A_149 = arith.constant 0 : i32
      %dma_wait3A_150 = arith.constant 0 : i32
      %dma_wait3A_151 = tpu.memref_slice %arg10[%dma_wait3A_148, %dma_wait3A_149, %dma_wait3A_150] : memref<4x128x128xf32, #tpu.memory_space<vmem>> -> memref<1x128x128xf32, #tpu.memory_space<vmem>>
      %dma_wait3A_152 = tpu.memref_squeeze %dma_wait3A_151 : memref<1x128x128xf32, #tpu.memory_space<vmem>> -> memref<128x128xf32, #tpu.memory_space<vmem>>
      %dma_wait3A_153 = arith.constant 0 : i32
      %dma_wait3A_154 = tpu.memref_slice %arg9[%add3A_147, %dma_wait3A_153] : memref<128x128xi32, #tpu.memory_space<vmem>> -> memref<1x128xi32, #tpu.memory_space<vmem>>
      %dma_wait3A_155 = tpu.memref_squeeze %dma_wait3A_154 : memref<1x128xi32, #tpu.memory_space<vmem>> -> memref<128xi32, #tpu.memory_space<vmem>>
      %dma_wait3A_156 = arith.constant 0 : i32
      %dma_wait3A_157 = arith.constant 0 : i32
      %dma_wait3A_158 = tpu.memref_slice %arg6[%dma_wait3A_156, %dma_wait3A_157] : memref<512x128xf32, #tpu.memory_space<vmem_shared>> -> memref<512x128xf32, #tpu.memory_space<vmem_shared>>
      tpu.wait_indirect_dma semaphore(%arg11 : memref<!tpu.dma_semaphore, #tpu.memory_space<semaphore_mem>>) src(%dma_wait3A_158 : memref<512x128xf32, #tpu.memory_space<vmem_shared>>) dst(%dma_wait3A_152 : memref<128x128xf32, #tpu.memory_space<vmem>>)
      %add3A_159 = arith.constant 0 : i32
      %add3A_160 = arith.addi %mul3A_77, %add3A_159 : i32
      %mul3A_161 = arith.constant 128 : i32
      %mul3A_162 = arith.muli %add3A_160, %mul3A_161 : i32
      %add3A_163 = arith.addi %mul3A_9, %mul3A_162 : i32
      %dma_start3A_164 = arith.constant 0 : i32
      %dma_start3A_165 = arith.constant 0 : i32
      %dma_start3A_166 = arith.constant 0 : i32
      %dma_start3A_167 = tpu.memref_slice %arg10[%dma_start3A_164, %dma_start3A_165, %dma_start3A_166] : memref<4x128x128xf32, #tpu.memory_space<vmem>> -> memref<1x128x128xf32, #tpu.memory_space<vmem>>
      %dma_start3A_168 = tpu.memref_squeeze %dma_start3A_167 : memref<1x128x128xf32, #tpu.memory_space<vmem>> -> memref<128x128xf32, #tpu.memory_space<vmem>>
      %dma_start3A_169 = arith.constant 0 : i32
      %dma_start3A_170 = tpu.memref_slice %arg5[%add3A_163, %dma_start3A_169] : memref<524288x128xf32, #tpu.memory_space<hbm>> -> memref<128x128xf32, #tpu.memory_space<hbm>>
      %dma_start3A_171 = arith.constant 0 : i32
      %dma_start3A_172 = tpu.memref_slice %arg5[%add3A_163, %dma_start3A_171] : memref<524288x128xf32, #tpu.memory_space<hbm>> -> memref<128x128xf32, #tpu.memory_space<hbm>>
      %dma_start3A_173 = arith.constant 0 : i32
      %dma_start3A_174 = arith.constant 0 : i32
      %dma_start3A_175 = tpu.memref_slice %arg10[%dma_start3A_164, %dma_start3A_173, %dma_start3A_174] : memref<4x128x128xf32, #tpu.memory_space<vmem>> -> memref<1x128x128xf32, #tpu.memory_space<vmem>>
      %dma_start3A_176 = tpu.memref_squeeze %dma_start3A_175 : memref<1x128x128xf32, #tpu.memory_space<vmem>> -> memref<128x128xf32, #tpu.memory_space<vmem>>
      tpu.enqueue_dma source(%dma_start3A_176 : memref<128x128xf32, #tpu.memory_space<vmem>>) target(%dma_start3A_172 : memref<128x128xf32, #tpu.memory_space<hbm>>) target_semaphore(%arg15 : memref<!tpu.dma_semaphore, #tpu.memory_space<semaphore_mem>>)
      %add3A_177 = arith.constant 1 : i32
      %add3A_178 = arith.addi %mul3A_77, %add3A_177 : i32
      %dma_wait3A_179 = arith.constant 1 : i32
      %dma_wait3A_180 = arith.constant 0 : i32
      %dma_wait3A_181 = arith.constant 0 : i32
      %dma_wait3A_182 = tpu.memref_slice %arg10[%dma_wait3A_179, %dma_wait3A_180, %dma_wait3A_181] : memref<4x128x128xf32, #tpu.memory_space<vmem>> -> memref<1x128x128xf32, #tpu.memory_space<vmem>>
      %dma_wait3A_183 = tpu.memref_squeeze %dma_wait3A_182 : memref<1x128x128xf32, #tpu.memory_space<vmem>> -> memref<128x128xf32, #tpu.memory_space<vmem>>
      %dma_wait3A_184 = arith.constant 0 : i32
      %dma_wait3A_185 = tpu.memref_slice %arg9[%add3A_178, %dma_wait3A_184] : memref<128x128xi32, #tpu.memory_space<vmem>> -> memref<1x128xi32, #tpu.memory_space<vmem>>
      %dma_wait3A_186 = tpu.memref_squeeze %dma_wait3A_185 : memref<1x128xi32, #tpu.memory_space<vmem>> -> memref<128xi32, #tpu.memory_space<vmem>>
      %dma_wait3A_187 = arith.constant 0 : i32
      %dma_wait3A_188 = arith.constant 0 : i32
      %dma_wait3A_189 = tpu.memref_slice %arg6[%dma_wait3A_187, %dma_wait3A_188] : memref<512x128xf32, #tpu.memory_space<vmem_shared>> -> memref<512x128xf32, #tpu.memory_space<vmem_shared>>
      tpu.wait_indirect_dma semaphore(%arg12 : memref<!tpu.dma_semaphore, #tpu.memory_space<semaphore_mem>>) src(%dma_wait3A_189 : memref<512x128xf32, #tpu.memory_space<vmem_shared>>) dst(%dma_wait3A_183 : memref<128x128xf32, #tpu.memory_space<vmem>>)
      %add3A_190 = arith.constant 1 : i32
      %add3A_191 = arith.addi %mul3A_77, %add3A_190 : i32
      %mul3A_192 = arith.constant 128 : i32
      %mul3A_193 = arith.muli %add3A_191, %mul3A_192 : i32
      %add3A_194 = arith.addi %mul3A_9, %mul3A_193 : i32
      %dma_start3A_195 = arith.constant 1 : i32
      %dma_start3A_196 = arith.constant 0 : i32
      %dma_start3A_197 = arith.constant 0 : i32
      %dma_start3A_198 = tpu.memref_slice %arg10[%dma_start3A_195, %dma_start3A_196, %dma_start3A_197] : memref<4x128x128xf32, #tpu.memory_space<vmem>> -> memref<1x128x128xf32, #tpu.memory_space<vmem>>
      %dma_start3A_199 = tpu.memref_squeeze %dma_start3A_198 : memref<1x128x128xf32, #tpu.memory_space<vmem>> -> memref<128x128xf32, #tpu.memory_space<vmem>>
      %dma_start3A_200 = arith.constant 0 : i32
      %dma_start3A_201 = tpu.memref_slice %arg5[%add3A_194, %dma_start3A_200] : memref<524288x128xf32, #tpu.memory_space<hbm>> -> memref<128x128xf32, #tpu.memory_space<hbm>>
      %dma_start3A_202 = arith.constant 0 : i32
      %dma_start3A_203 = tpu.memref_slice %arg5[%add3A_194, %dma_start3A_202] : memref<524288x128xf32, #tpu.memory_space<hbm>> -> memref<128x128xf32, #tpu.memory_space<hbm>>
      %dma_start3A_204 = arith.constant 0 : i32
      %dma_start3A_205 = arith.constant 0 : i32
      %dma_start3A_206 = tpu.memref_slice %arg10[%dma_start3A_195, %dma_start3A_204, %dma_start3A_205] : memref<4x128x128xf32, #tpu.memory_space<vmem>> -> memref<1x128x128xf32, #tpu.memory_space<vmem>>
      %dma_start3A_207 = tpu.memref_squeeze %dma_start3A_206 : memref<1x128x128xf32, #tpu.memory_space<vmem>> -> memref<128x128xf32, #tpu.memory_space<vmem>>
      tpu.enqueue_dma source(%dma_start3A_207 : memref<128x128xf32, #tpu.memory_space<vmem>>) target(%dma_start3A_203 : memref<128x128xf32, #tpu.memory_space<hbm>>) target_semaphore(%arg16 : memref<!tpu.dma_semaphore, #tpu.memory_space<semaphore_mem>>)
      %add3A_208 = arith.constant 2 : i32
      %add3A_209 = arith.addi %mul3A_77, %add3A_208 : i32
      %dma_wait3A_210 = arith.constant 2 : i32
      %dma_wait3A_211 = arith.constant 0 : i32
      %dma_wait3A_212 = arith.constant 0 : i32
      %dma_wait3A_213 = tpu.memref_slice %arg10[%dma_wait3A_210, %dma_wait3A_211, %dma_wait3A_212] : memref<4x128x128xf32, #tpu.memory_space<vmem>> -> memref<1x128x128xf32, #tpu.memory_space<vmem>>
      %dma_wait3A_214 = tpu.memref_squeeze %dma_wait3A_213 : memref<1x128x128xf32, #tpu.memory_space<vmem>> -> memref<128x128xf32, #tpu.memory_space<vmem>>
      %dma_wait3A_215 = arith.constant 0 : i32
      %dma_wait3A_216 = tpu.memref_slice %arg9[%add3A_209, %dma_wait3A_215] : memref<128x128xi32, #tpu.memory_space<vmem>> -> memref<1x128xi32, #tpu.memory_space<vmem>>
      %dma_wait3A_217 = tpu.memref_squeeze %dma_wait3A_216 : memref<1x128xi32, #tpu.memory_space<vmem>> -> memref<128xi32, #tpu.memory_space<vmem>>
      %dma_wait3A_218 = arith.constant 0 : i32
      %dma_wait3A_219 = arith.constant 0 : i32
      %dma_wait3A_220 = tpu.memref_slice %arg6[%dma_wait3A_218, %dma_wait3A_219] : memref<512x128xf32, #tpu.memory_space<vmem_shared>> -> memref<512x128xf32, #tpu.memory_space<vmem_shared>>
      tpu.wait_indirect_dma semaphore(%arg13 : memref<!tpu.dma_semaphore, #tpu.memory_space<semaphore_mem>>) src(%dma_wait3A_220 : memref<512x128xf32, #tpu.memory_space<vmem_shared>>) dst(%dma_wait3A_214 : memref<128x128xf32, #tpu.memory_space<vmem>>)
      %add3A_221 = arith.constant 2 : i32
      %add3A_222 = arith.addi %mul3A_77, %add3A_221 : i32
      %mul3A_223 = arith.constant 128 : i32
      %mul3A_224 = arith.muli %add3A_222, %mul3A_223 : i32
      %add3A_225 = arith.addi %mul3A_9, %mul3A_224 : i32
      %dma_start3A_226 = arith.constant 2 : i32
      %dma_start3A_227 = arith.constant 0 : i32
      %dma_start3A_228 = arith.constant 0 : i32
      %dma_start3A_229 = tpu.memref_slice %arg10[%dma_start3A_226, %dma_start3A_227, %dma_start3A_228] : memref<4x128x128xf32, #tpu.memory_space<vmem>> -> memref<1x128x128xf32, #tpu.memory_space<vmem>>
      %dma_start3A_230 = tpu.memref_squeeze %dma_start3A_229 : memref<1x128x128xf32, #tpu.memory_space<vmem>> -> memref<128x128xf32, #tpu.memory_space<vmem>>
      %dma_start3A_231 = arith.constant 0 : i32
      %dma_start3A_232 = tpu.memref_slice %arg5[%add3A_225, %dma_start3A_231] : memref<524288x128xf32, #tpu.memory_space<hbm>> -> memref<128x128xf32, #tpu.memory_space<hbm>>
      %dma_start3A_233 = arith.constant 0 : i32
      %dma_start3A_234 = tpu.memref_slice %arg5[%add3A_225, %dma_start3A_233] : memref<524288x128xf32, #tpu.memory_space<hbm>> -> memref<128x128xf32, #tpu.memory_space<hbm>>
      %dma_start3A_235 = arith.constant 0 : i32
      %dma_start3A_236 = arith.constant 0 : i32
      %dma_start3A_237 = tpu.memref_slice %arg10[%dma_start3A_226, %dma_start3A_235, %dma_start3A_236] : memref<4x128x128xf32, #tpu.memory_space<vmem>> -> memref<1x128x128xf32, #tpu.memory_space<vmem>>
      %dma_start3A_238 = tpu.memref_squeeze %dma_start3A_237 : memref<1x128x128xf32, #tpu.memory_space<vmem>> -> memref<128x128xf32, #tpu.memory_space<vmem>>
      tpu.enqueue_dma source(%dma_start3A_238 : memref<128x128xf32, #tpu.memory_space<vmem>>) target(%dma_start3A_234 : memref<128x128xf32, #tpu.memory_space<hbm>>) target_semaphore(%arg17 : memref<!tpu.dma_semaphore, #tpu.memory_space<semaphore_mem>>)
      %add3A_239 = arith.constant 3 : i32
      %add3A_240 = arith.addi %mul3A_77, %add3A_239 : i32
      %dma_wait3A_241 = arith.constant 3 : i32
      %dma_wait3A_242 = arith.constant 0 : i32
      %dma_wait3A_243 = arith.constant 0 : i32
      %dma_wait3A_244 = tpu.memref_slice %arg10[%dma_wait3A_241, %dma_wait3A_242, %dma_wait3A_243] : memref<4x128x128xf32, #tpu.memory_space<vmem>> -> memref<1x128x128xf32, #tpu.memory_space<vmem>>
      %dma_wait3A_245 = tpu.memref_squeeze %dma_wait3A_244 : memref<1x128x128xf32, #tpu.memory_space<vmem>> -> memref<128x128xf32, #tpu.memory_space<vmem>>
      %dma_wait3A_246 = arith.constant 0 : i32
      %dma_wait3A_247 = tpu.memref_slice %arg9[%add3A_240, %dma_wait3A_246] : memref<128x128xi32, #tpu.memory_space<vmem>> -> memref<1x128xi32, #tpu.memory_space<vmem>>
      %dma_wait3A_248 = tpu.memref_squeeze %dma_wait3A_247 : memref<1x128xi32, #tpu.memory_space<vmem>> -> memref<128xi32, #tpu.memory_space<vmem>>
      %dma_wait3A_249 = arith.constant 0 : i32
      %dma_wait3A_250 = arith.constant 0 : i32
      %dma_wait3A_251 = tpu.memref_slice %arg6[%dma_wait3A_249, %dma_wait3A_250] : memref<512x128xf32, #tpu.memory_space<vmem_shared>> -> memref<512x128xf32, #tpu.memory_space<vmem_shared>>
      tpu.wait_indirect_dma semaphore(%arg14 : memref<!tpu.dma_semaphore, #tpu.memory_space<semaphore_mem>>) src(%dma_wait3A_251 : memref<512x128xf32, #tpu.memory_space<vmem_shared>>) dst(%dma_wait3A_245 : memref<128x128xf32, #tpu.memory_space<vmem>>)
      %add3A_252 = arith.constant 3 : i32
      %add3A_253 = arith.addi %mul3A_77, %add3A_252 : i32
      %mul3A_254 = arith.constant 128 : i32
      %mul3A_255 = arith.muli %add3A_253, %mul3A_254 : i32
      %add3A_256 = arith.addi %mul3A_9, %mul3A_255 : i32
      %dma_start3A_257 = arith.constant 3 : i32
      %dma_start3A_258 = arith.constant 0 : i32
      %dma_start3A_259 = arith.constant 0 : i32
      %dma_start3A_260 = tpu.memref_slice %arg10[%dma_start3A_257, %dma_start3A_258, %dma_start3A_259] : memref<4x128x128xf32, #tpu.memory_space<vmem>> -> memref<1x128x128xf32, #tpu.memory_space<vmem>>
      %dma_start3A_261 = tpu.memref_squeeze %dma_start3A_260 : memref<1x128x128xf32, #tpu.memory_space<vmem>> -> memref<128x128xf32, #tpu.memory_space<vmem>>
      %dma_start3A_262 = arith.constant 0 : i32
      %dma_start3A_263 = tpu.memref_slice %arg5[%add3A_256, %dma_start3A_262] : memref<524288x128xf32, #tpu.memory_space<hbm>> -> memref<128x128xf32, #tpu.memory_space<hbm>>
      %dma_start3A_264 = arith.constant 0 : i32
      %dma_start3A_265 = tpu.memref_slice %arg5[%add3A_256, %dma_start3A_264] : memref<524288x128xf32, #tpu.memory_space<hbm>> -> memref<128x128xf32, #tpu.memory_space<hbm>>
      %dma_start3A_266 = arith.constant 0 : i32
      %dma_start3A_267 = arith.constant 0 : i32
      %dma_start3A_268 = tpu.memref_slice %arg10[%dma_start3A_257, %dma_start3A_266, %dma_start3A_267] : memref<4x128x128xf32, #tpu.memory_space<vmem>> -> memref<1x128x128xf32, #tpu.memory_space<vmem>>
      %dma_start3A_269 = tpu.memref_squeeze %dma_start3A_268 : memref<1x128x128xf32, #tpu.memory_space<vmem>> -> memref<128x128xf32, #tpu.memory_space<vmem>>
      tpu.enqueue_dma source(%dma_start3A_269 : memref<128x128xf32, #tpu.memory_space<vmem>>) target(%dma_start3A_265 : memref<128x128xf32, #tpu.memory_space<hbm>>) target_semaphore(%arg18 : memref<!tpu.dma_semaphore, #tpu.memory_space<semaphore_mem>>)
    }
    %scan3A_15 = arith.constant 32 : i32
    %add3A_16 = arith.constant 15872 : i32
    %add3A_17 = arith.addi %mul3A_9, %add3A_16 : i32
    %dma_wait3A = arith.constant 0 : i32
    %dma_wait3A_18 = arith.constant 0 : i32
    %dma_wait3A_19 = arith.constant 0 : i32
    %dma_wait3A_20 = tpu.memref_slice %arg10[%dma_wait3A, %dma_wait3A_18, %dma_wait3A_19] : memref<4x128x128xf32, #tpu.memory_space<vmem>> -> memref<1x128x128xf32, #tpu.memory_space<vmem>>
    %dma_wait3A_21 = tpu.memref_squeeze %dma_wait3A_20 : memref<1x128x128xf32, #tpu.memory_space<vmem>> -> memref<128x128xf32, #tpu.memory_space<vmem>>
    %dma_wait3A_22 = arith.constant 0 : i32
    %dma_wait3A_23 = tpu.memref_slice %arg5[%add3A_17, %dma_wait3A_22] : memref<524288x128xf32, #tpu.memory_space<hbm>> -> memref<128x128xf32, #tpu.memory_space<hbm>>
    %dma_wait3A_24 = arith.constant 0 : i32
    %dma_wait3A_25 = tpu.memref_slice %arg5[%add3A_17, %dma_wait3A_24] : memref<524288x128xf32, #tpu.memory_space<hbm>> -> memref<128x128xf32, #tpu.memory_space<hbm>>
    %dma_wait3A_26 = arith.constant 0 : i32
    %dma_wait3A_27 = arith.constant 0 : i32
    %dma_wait3A_28 = tpu.memref_slice %arg10[%dma_wait3A, %dma_wait3A_26, %dma_wait3A_27] : memref<4x128x128xf32, #tpu.memory_space<vmem>> -> memref<1x128x128xf32, #tpu.memory_space<vmem>>
    %dma_wait3A_29 = tpu.memref_squeeze %dma_wait3A_28 : memref<1x128x128xf32, #tpu.memory_space<vmem>> -> memref<128x128xf32, #tpu.memory_space<vmem>>
    tpu.wait_dma2 semaphore(%arg15 : memref<!tpu.dma_semaphore, #tpu.memory_space<semaphore_mem>>) src(%dma_wait3A_29 : memref<128x128xf32, #tpu.memory_space<vmem>>) dst(%dma_wait3A_25 : memref<128x128xf32, #tpu.memory_space<hbm>>)
    %add3A_30 = arith.constant 16000 : i32
    %add3A_31 = arith.addi %mul3A_9, %add3A_30 : i32
    %dma_wait3A_32 = arith.constant 1 : i32
    %dma_wait3A_33 = arith.constant 0 : i32
    %dma_wait3A_34 = arith.constant 0 : i32
    %dma_wait3A_35 = tpu.memref_slice %arg10[%dma_wait3A_32, %dma_wait3A_33, %dma_wait3A_34] : memref<4x128x128xf32, #tpu.memory_space<vmem>> -> memref<1x128x128xf32, #tpu.memory_space<vmem>>
    %dma_wait3A_36 = tpu.memref_squeeze %dma_wait3A_35 : memref<1x128x128xf32, #tpu.memory_space<vmem>> -> memref<128x128xf32, #tpu.memory_space<vmem>>
    %dma_wait3A_37 = arith.constant 0 : i32
    %dma_wait3A_38 = tpu.memref_slice %arg5[%add3A_31, %dma_wait3A_37] : memref<524288x128xf32, #tpu.memory_space<hbm>> -> memref<128x128xf32, #tpu.memory_space<hbm>>
    %dma_wait3A_39 = arith.constant 0 : i32
    %dma_wait3A_40 = tpu.memref_slice %arg5[%add3A_31, %dma_wait3A_39] : memref<524288x128xf32, #tpu.memory_space<hbm>> -> memref<128x128xf32, #tpu.memory_space<hbm>>
    %dma_wait3A_41 = arith.constant 0 : i32
    %dma_wait3A_42 = arith.constant 0 : i32
    %dma_wait3A_43 = tpu.memref_slice %arg10[%dma_wait3A_32, %dma_wait3A_41, %dma_wait3A_42] : memref<4x128x128xf32, #tpu.memory_space<vmem>> -> memref<1x128x128xf32, #tpu.memory_space<vmem>>
    %dma_wait3A_44 = tpu.memref_squeeze %dma_wait3A_43 : memref<1x128x128xf32, #tpu.memory_space<vmem>> -> memref<128x128xf32, #tpu.memory_space<vmem>>
    tpu.wait_dma2 semaphore(%arg16 : memref<!tpu.dma_semaphore, #tpu.memory_space<semaphore_mem>>) src(%dma_wait3A_44 : memref<128x128xf32, #tpu.memory_space<vmem>>) dst(%dma_wait3A_40 : memref<128x128xf32, #tpu.memory_space<hbm>>)
    %add3A_45 = arith.constant 16128 : i32
    %add3A_46 = arith.addi %mul3A_9, %add3A_45 : i32
    %dma_wait3A_47 = arith.constant 2 : i32
    %dma_wait3A_48 = arith.constant 0 : i32
    %dma_wait3A_49 = arith.constant 0 : i32
    %dma_wait3A_50 = tpu.memref_slice %arg10[%dma_wait3A_47, %dma_wait3A_48, %dma_wait3A_49] : memref<4x128x128xf32, #tpu.memory_space<vmem>> -> memref<1x128x128xf32, #tpu.memory_space<vmem>>
    %dma_wait3A_51 = tpu.memref_squeeze %dma_wait3A_50 : memref<1x128x128xf32, #tpu.memory_space<vmem>> -> memref<128x128xf32, #tpu.memory_space<vmem>>
    %dma_wait3A_52 = arith.constant 0 : i32
    %dma_wait3A_53 = tpu.memref_slice %arg5[%add3A_46, %dma_wait3A_52] : memref<524288x128xf32, #tpu.memory_space<hbm>> -> memref<128x128xf32, #tpu.memory_space<hbm>>
    %dma_wait3A_54 = arith.constant 0 : i32
    %dma_wait3A_55 = tpu.memref_slice %arg5[%add3A_46, %dma_wait3A_54] : memref<524288x128xf32, #tpu.memory_space<hbm>> -> memref<128x128xf32, #tpu.memory_space<hbm>>
    %dma_wait3A_56 = arith.constant 0 : i32
    %dma_wait3A_57 = arith.constant 0 : i32
    %dma_wait3A_58 = tpu.memref_slice %arg10[%dma_wait3A_47, %dma_wait3A_56, %dma_wait3A_57] : memref<4x128x128xf32, #tpu.memory_space<vmem>> -> memref<1x128x128xf32, #tpu.memory_space<vmem>>
    %dma_wait3A_59 = tpu.memref_squeeze %dma_wait3A_58 : memref<1x128x128xf32, #tpu.memory_space<vmem>> -> memref<128x128xf32, #tpu.memory_space<vmem>>
    tpu.wait_dma2 semaphore(%arg17 : memref<!tpu.dma_semaphore, #tpu.memory_space<semaphore_mem>>) src(%dma_wait3A_59 : memref<128x128xf32, #tpu.memory_space<vmem>>) dst(%dma_wait3A_55 : memref<128x128xf32, #tpu.memory_space<hbm>>)
    %add3A_60 = arith.constant 16256 : i32
    %add3A_61 = arith.addi %mul3A_9, %add3A_60 : i32
    %dma_wait3A_62 = arith.constant 3 : i32
    %dma_wait3A_63 = arith.constant 0 : i32
    %dma_wait3A_64 = arith.constant 0 : i32
    %dma_wait3A_65 = tpu.memref_slice %arg10[%dma_wait3A_62, %dma_wait3A_63, %dma_wait3A_64] : memref<4x128x128xf32, #tpu.memory_space<vmem>> -> memref<1x128x128xf32, #tpu.memory_space<vmem>>
    %dma_wait3A_66 = tpu.memref_squeeze %dma_wait3A_65 : memref<1x128x128xf32, #tpu.memory_space<vmem>> -> memref<128x128xf32, #tpu.memory_space<vmem>>
    %dma_wait3A_67 = arith.constant 0 : i32
    %dma_wait3A_68 = tpu.memref_slice %arg5[%add3A_61, %dma_wait3A_67] : memref<524288x128xf32, #tpu.memory_space<hbm>> -> memref<128x128xf32, #tpu.memory_space<hbm>>
    %dma_wait3A_69 = arith.constant 0 : i32
    %dma_wait3A_70 = tpu.memref_slice %arg5[%add3A_61, %dma_wait3A_69] : memref<524288x128xf32, #tpu.memory_space<hbm>> -> memref<128x128xf32, #tpu.memory_space<hbm>>
    %dma_wait3A_71 = arith.constant 0 : i32
    %dma_wait3A_72 = arith.constant 0 : i32
    %dma_wait3A_73 = tpu.memref_slice %arg10[%dma_wait3A_62, %dma_wait3A_71, %dma_wait3A_72] : memref<4x128x128xf32, #tpu.memory_space<vmem>> -> memref<1x128x128xf32, #tpu.memory_space<vmem>>
    %dma_wait3A_74 = tpu.memref_squeeze %dma_wait3A_73 : memref<1x128x128xf32, #tpu.memory_space<vmem>> -> memref<128x128xf32, #tpu.memory_space<vmem>>
    tpu.wait_dma2 semaphore(%arg18 : memref<!tpu.dma_semaphore, #tpu.memory_space<semaphore_mem>>) src(%dma_wait3A_74 : memref<128x128xf32, #tpu.memory_space<vmem>>) dst(%dma_wait3A_70 : memref<128x128xf32, #tpu.memory_space<hbm>>)
    return
  }
}

</mosaic_0001>

<sc_bundles>
// kernel: kernel.3.cloned.1.call-start
scs
__scs_entry_jumppad:
0x0: {  	(pc) =	sbr.rel $0x88, $3  }
0x1: {  	(tag) =	ssettag $0x0;
	lr =	simm.s32 $0x1  }
0x2: {  	[smem:$0x3F9E] =	sst lr;
	_ =	strace $0xD0000000  }
0x3: {  	_ = 	snop  }
0x4: {  	_ = 	snop  }
0x5: {  	_ = 	snop  }
0x6: {  	_ = 	snop  }
0x7: {  	_ = 	snop  }
__scs_overlays_trampoline_lowered:
0x8: {  	[smem:$0x3FAD] =	sst s0  }
0x9: {  	[smem:$0x3FAE] =	sst s1  }
0xa: {  	[smem:$0x3FAF] =	sst s2  }
0xb: {  	[smem:$0x3FB0] =	sst s3  }
0xc: {  	[smem:$0x3FB1] =	sst s4  }
0xd: {  	[smem:$0x3FB2] =	sst s5  }
0xe: {  	[smem:$0x3FB3] =	sst s6  }
0xf: {  	[smem:$0x3FB4] =	sst s7  }
0x10: {  	[smem:$0x3FB5] =	sst s8  }
0x11: {  	[smem:$0x3FB6] =	sst s9;
	s0 =	simm.s32 @!p0 $0x0  }
0x12: {  	s1 =	sld [smem:$0x3F9C];
	s0 =	simm.s32 @p0 $0x1  }
0x13: {  	[smem:$0x3FB7] =	sst s0;
	s0 =	simm.s32 @!p1 $0x0  }
0x14: {  	s2 =	sld [smem:$0x3F9B];
	s0 =	simm.s32 @p1 $0x1  }
0x15: {  	[smem:$0x3FB8] =	sst s0;
	s0 =	simm.s32 @!p2 $0x0  }
0x16: {  	s3 =	sld [smem:$0x3FDB];
	s0 =	simm.s32 @p2 $0x1  }
0x17: {  	s4 =	simm.s32 $0x1BF5;
	[smem:$0x3FBA] =	sst s0  }
0x18: {  	s0 =	sld [smem:$0x3F9D];
	_ =	swait.ge [sflag:s4], $0x0  }
0x19: {  	s7 =	sld [smem:$0x3F9E]  }
0x1a: {  	s8 =	sadd.s32 $0xFFFFE003, lr  }
0x1b: {  	s9 =	sadd.s32 $0xFFFFFEF7, lr;
	s5 =	simm.s32 $0xFFFFFFFF;
	p2 =	slt.u32 s8, $0xFFFFF086  }
0x1c: {  	p1 =	slt.u32 s9, $0xF7A;
	s5 =	simm.s32 @!p2 $0x0  }
0x1d: {  	s5 =	simm.s32 @p1 $0x1;
	p0 =	seq.s32 s7, s2  }
0x1e: {  	s7 =	smul.u32 @!p0 $0xF7A, s2;
	p2 =	seq.s32 @!p0 s5, $0x0  }
0x1f: {  	s9 =	smul.u32 $0xF7A, s1;
	s8 =	simm.s32 @!p0 $0x1BF5;
	p2 =	por !p2, p0  }
0x20: {  	[sflag:s8] =	ssyncset.s32 @!p0 $0xFFFFF086;
	s6 =	sadd.s32 @!p0 s3, s7;
	s7 =	simm.s32 @!p0 $0x108  }
0x21: {  	s3 =	sadd.s32 s3, s9;
	s6 =	sadd.s32 @!p0 $0x88, s6;
	s7 =	simm.s32 @p2 $0x1082  }
0x22: {  	[simem:s7], [sflag:s8] =	dma.local @!p0 [hbm:s6], $0xF7A  }
0x23: {  	s9 =	sor.u32 $0xD0000000, s2;
	s6 =	simm.s32 $0x108;
	_ =	swait.ge @!p0 [sflag:s8], $0x0  }
0x24: {  	s3 =	sadd.s32 $0x88, s3;
	s6 =	simm.s32 @!p1 $0x1082;
	[sflag:s4] =	ssyncset.s32 $0xFFFFF086  }
0x25: {  	[simem:s6], [sflag:s4] =	dma.local [hbm:s3], $0xF7A  }
0x26: {  	[smem:$0x3F9E] =	sst s1;
	(tag) =	ssettag s2;
	_ =	strace s9  }
0x27: {  	s1 =	sld [smem:$0x3FAE]  }
0x28: {  	s2 =	sld [smem:$0x3FAF]  }
0x29: {  	s4 =	sld [smem:$0x3FB1]  }
0x2a: {  	p0 =	seq.s32 s5, $0x0;
	s5 =	sld [smem:$0x3FB2]  }
0x2b: {  	s6 =	sld [smem:$0x3FB3]  }
0x2c: {  	s7 =	sld [smem:$0x3FB4]  }
0x2d: {  	s3 =	simm.s32 $0x108;
	s8 =	sld [smem:$0x3FB5]  }
0x2e: {  	s3 =	simm.s32 @!p0 $0x1082;
	s9 =	sld [smem:$0x3FB6]  }
0x2f: {  	lr =	sadd.s32 s0, s3;
	s0 =	sld [smem:$0x3FAD]  }
0x30: {  	s3 =	sld [smem:$0x3FB0]  }
0x31: {  	[smem:$0x3FB9] =	sst s10  }
0x32: {  	s10 =	sld [smem:$0x3FB7];
	_ =	sdelay $0x3  }
0x33: {  	p0 =	seq.s32 s10, $0x1;
	s10 =	sld [smem:$0x3FB9];
	_ =	sdelay $0x3  }
0x34: {  	[smem:$0x3FB9] =	sst s10  }
0x35: {  	s10 =	sld [smem:$0x3FB8];
	_ =	sdelay $0x3  }
0x36: {  	p1 =	seq.s32 s10, $0x1;
	s10 =	sld [smem:$0x3FB9];
	_ =	sdelay $0x3  }
0x37: {  	[smem:$0x3FB9] =	sst s10  }
0x38: {  	s10 =	sld [smem:$0x3FBA]  }
0x39: {  	_ = 	snop;
	(pc) =	sbr.ind lr, $3  }
0x3a: {  	_ = 	snop  }
0x3b: {  	_ = 	snop  }
0x3c: {  	p2 =	seq.s32 s10, $0x1;
	s10 =	sld [smem:$0x3FB9]  }
0x3d: {  	_ =	shalt  }
0x3e: {  	_ =	shalt  }
0x3f: {  	_ =	shalt  }
0x40: {  	_ =	shalt  }
0x41: {  	_ =	shalt  }
0x42: {  	_ =	shalt  }
0x43: {  	_ =	shalt  }
0x44: {  	_ =	shalt  }
0x45: {  	_ =	shalt  }
0x46: {  	_ =	shalt  }
0x47: {  	_ =	shalt  }
0x48: {  	_ =	shalt  }
0x49: {  	_ =	shalt  }
0x4a: {  	_ =	shalt  }
0x4b: {  	_ =	shalt  }
0x4c: {  	_ =	shalt  }
0x4d: {  	_ =	shalt  }
0x4e: {  	_ =	shalt  }
0x4f: {  	_ =	shalt  }
0x50: {  	_ =	shalt  }
0x51: {  	_ =	shalt  }
0x52: {  	_ =	shalt  }
0x53: {  	_ =	shalt  }
0x54: {  	_ =	shalt  }
0x55: {  	_ =	shalt  }
0x56: {  	_ =	shalt  }
0x57: {  	_ =	shalt  }
0x58: {  	_ =	shalt  }
0x59: {  	_ =	shalt  }
0x5a: {  	_ =	shalt  }
0x5b: {  	_ =	shalt  }
0x5c: {  	_ =	shalt  }
0x5d: {  	_ =	shalt  }
0x5e: {  	_ =	shalt  }
0x5f: {  	_ =	shalt  }
0x60: {  	_ =	shalt  }
0x61: {  	_ =	shalt  }
0x62: {  	_ =	shalt  }
0x63: {  	_ =	shalt  }
0x64: {  	_ =	shalt  }
0x65: {  	_ =	shalt  }
0x66: {  	_ =	shalt  }
0x67: {  	_ =	shalt  }
0x68: {  	_ =	shalt  }
0x69: {  	_ =	shalt  }
0x6a: {  	_ =	shalt  }
0x6b: {  	_ =	shalt  }
0x6c: {  	_ =	shalt  }
0x6d: {  	_ =	shalt  }
0x6e: {  	_ =	shalt  }
0x6f: {  	_ =	shalt  }
0x70: {  	_ =	shalt  }
0x71: {  	_ =	shalt  }
0x72: {  	_ =	shalt  }
0x73: {  	_ =	shalt  }
0x74: {  	_ =	shalt  }
0x75: {  	_ =	shalt  }
0x76: {  	_ =	shalt  }
0x77: {  	_ =	shalt  }
0x78: {  	_ =	shalt  }
0x79: {  	_ =	shalt  }
0x7a: {  	_ =	shalt  }
0x7b: {  	_ =	shalt  }
0x7c: {  	_ =	shalt  }
0x7d: {  	_ =	shalt  }
0x7e: {  	_ =	shalt  }
0x7f: {  	_ =	shalt  }
0x80: {  	_ =	shalt  }
0x81: {  	_ =	shalt  }
0x82: {  	_ =	shalt  }
0x83: {  	_ =	shalt  }
0x84: {  	_ =	shalt  }
0x85: {  	_ =	shalt  }
0x86: {  	_ =	shalt  }
0x87: {  	_ =	shalt  }
.Lfunc_end0:
.L_simem_size_0:
called_computation_lowered:
.L_overlay_start_0:
0x88: {  	s2 =	sld [smem:$0x3FD9]  }
0x89: {  	s3 =	sld [smem:$0x3FFE];
	_ =	sdelay $0x1  }
0x8a: {  	s1 =	srdreg.scid  }
0x8b: {  	s0 =	sand.u32 $0x1, s1  }
0x8c: {  	s17 =	sshll.u32 s0, $0xA;
	s2 =	sadd.s32 s3, s2  }
0x8d: {  	s2 =	sadd.s32 s2, s17  }
0x8e: {  	[smem:$0x3FC5] =	sst s2  }
0x8f: {  	_ = 	snop  }
0x90: {  	s2 =	sld [smem:$0x3FC7]  }
0x91: {  	s18 =	sld [smem:$0x3FD0];
	(tm) =	ssettm $0x1  }
0x92: {  	s4 =	sld [smem:$0x3FFB];
	_ =	sdelay $0x3  }
0x93: {  	_ =	strace s4  }
0x94: {  	s4 =	sld [smem:$0x3FFC];
	_ =	sdelay $0x3  }
0x95: {  	_ =	strace s4  }
0x96: {  	s4 =	sld [smem:$0x3FFD];
	_ =	sdelay $0x3  }
0x97: {  	_ =	strace s4  }
0x98: {  	_ =	strace $0x8FFFFFFF  }
0x99: {  	s19 =	sld [smem:$0x3FDB];
	_ =	sdelay $0x1  }
0x9a: {  	s5 =	simm.s32 $_scs_section_size  }
0x9b: {  	s6 =	simm.s32 $_size__tile_overlayer_lowered;
	s7 =	simm.s32 $_tile_overlayer_lowered  }
0x9c: {  	s22 =	simm.s32 $0x1BFF;
	s21 =	sshll.u32 s7, $0x1;
	s4 =	sadd.s32 s5, s19  }
0x9d: {  	s8 =	simm.s32 $0x0;
	s20 =	sshll.u32 s6, $0x1;
	s6 =	sadd.s32 s21, s4  }
0x9e: {  	[timem:s8], [sflag:s22] =	dma.local [hbm:s6], s20  }
0x9f: {  	_ =	swait.ge [sflag:s22], s20  }
0xa0: {  	s5 =	ssub.s32 $0x0, s20;
	[sflag:s22] =	ssyncset.done $0x0  }
0xa1: {  	[sflag:s22] =	ssyncadd.s32 s5;
	_ =	sdelay $0x1  }
0xa2: {  	s23 =	simm.s32 $0x1B8B  }
0xa3: {  	_ =	swait.ge [sflag:s23], $0x1  }
0xa4: {  	[sflag:s23] =	ssyncset.done $0x0  }
0xa5: {  	s25 =	simm.s32 $0x1B8E;
	s24 =	sld [smem:$0x3FFE];
	[sflag:s23] =	ssyncadd.s32 $0xFFFFFFFF  }
0xa6: {  	s26 =	simm.s32 $execute0_lowered;
	[smem:$0x3FD2] =	sst s25  }
0xa7: {  	s6 =	sshll.u32 s26, $0x1;
	_ =	strace $0x80000046;
	[dreg:$0x1] =	wrdreg $0xFFFFFFFF  }
0xa8: {  	s28 =	simm.s32 $_size_execute0_lowered;
	s4 =	sadd.s32 s4, s6;
	[dreg:$0x0] =	wrdreg $0x0  }
0xa9: {  	s6 =	sshll.u32 s28, $0x1;
	[dreg:$0x2] =	wrdreg s4  }
0xaa: {  	[dreg:$0x3] =	wrdreg s6  }
0xab: {  	[dreg:$0x4] =	wrdreg $0xC0  }
0xac: {  	_ =	task [dreg:s8], $0x5FFFF  }
0xad: {  	[dreg:$0x1] =	wrdreg $0xFFFFFFFF  }
0xae: {  	[dreg:$0x0] =	wrdreg $0x60  }
0xaf: {  	[dreg:$0x2] =	wrdreg s24  }
0xb0: {  	[dreg:$0x3] =	wrdreg s2  }
0xb1: {  	[dreg:$0x4] =	wrdreg s18  }
0xb2: {  	[dreg:$0x5] =	wrdreg $0x0  }
0xb3: {  	[dreg:$0x6] =	wrdreg $0x9  }
0xb4: {  	_ =	task.clear_ibuf [dreg:s8], $0x7FFFF;
	_ =	strace $0x90000046  }
0xb5: {  	s29 =	simm.s32 $0x9;
	_ =	strace $0x80000048  }
0xb6: {  	_ =	swait.ge [sflag:s29], $0x1  }
0xb7: {  	[sflag:s29] =	ssyncadd.s32 $0xFFFFFFFF  }
0xb8: {  	_ =	strace $0x90000048  }
0xb9: {  	_ =	sfence  }
0xba: {  	s30 =	sld [smem:$0x0];
	_ =	sdelay $0x2  }
0xbb: {  	s31 =	sshll.u32 s1, $0xD;
	s1 =	sshrl.u32 s1, $0x2  }
0xbc: {  	s3 =	sand.u32 $0x4000, s31;
	s1 =	sadd.s32 s1, s30  }
0xbd: {  	s0 =	sor.u32 s3, s0;
	s1 =	sshll.u32 s1, $0x11  }
0xbe: {  	s0 =	sor.u32 s1, s0  }
0xbf: {  	s0 =	sadd.s32 $0x8F2B, s0  }
0xc0: {  	[sflag:s0] =	ssyncadd.remote.s32 $0x1  }
0xc1: {  	_ =	sfence.sel $0xFFFF  }
0xc2: {  	[dreg:$0x0] =	wrdreg $0xFFFFFFFF;
	(pc) =	sbr.abs _section_cstart, $3  }
0xc3: {  	[dreg:$0x1] =	wrdreg $0xFFFFFFFF  }
0xc4: {  	_ =	task.clear_ibuf [dreg:s8], $0x2FFFF;
	_ =	strace $0x9FFFFFFF  }
0xc5: {  	(tm) =	ssettm $0x7FFFFFFF  }
tec
execute0_lowered:
.L_overlay_start_1:
0x0: {  	(tag) =	ssettag $0x1  }
0x1: {  	s0 =	rddreg [dreg:$0x0]  }
0x2: {  	s1 =	rddreg [dreg:$0x1]  }
0x3: {  	s4 =	rddreg [dreg:$0x2]  }
0x4: {  	s2 =	rddreg [dreg:$0x3];
	s5 =	srdreg.scid;
	s3 =	simm.s32 $0x0  }
0x5: {  	s12 =	stileid.u32;
	s14 =	simm.s32 $0x1000;
	s15 =	simm.s32 $0x9  }
0x6: {  	s17 =	simm.s32 $0x3000;
	s18 =	simm.s32 $0x80;
	s28 =	simm.s32 $0x2  }
0x7: {  	s29 =	simm.s32 $0x3;
	s30 =	simm.s32 $0x4;
	s31 =	simm.s32 $0x5  }
0x8: {  	s16 =	simm.s32 $0x8;
	s11 =	sand.u32 $0x1, s5;
	[smem:$0x7FF] =	sst s3  }
0x9: {  	s19 =	sshll.u32 s12, $0xF;
	s21 =	sshll.u32 s12, $0x9;
	s23 =	sshll.u32 s12, $0xC  }
0xa: {  	s25 =	sshll.u32 s12, $0x13;
	s6 =	sshll.u32 s11, $0xE;
	_ =	strace $0x80000047  }
0xb: {  	s20 =	ssub.s32 $0x2, s11;
	s10 =	sadd.s32 s21, s0;
	s1 =	sadd.s32 s1, s21  }
0xc: {  	s26 =	sshll.u32 s11, $0x12;
	s21 =	simm.s32 $0xB000;
	s8 =	sor.u32 s6, s19  }
0xd: {  	s9 =	sshrl.u32 s20, $0x1;
	s22 =	sadd.s32 $0x400, s10;
	[dreg:$0x6] =	wrdreg s1  }
0xe: {  	s6 =	sadd.s32 s23, s2;
	s19 =	simm.s32 $0x7000;
	s23 =	simm.s32 $0xF000  }
0xf: {  	s1 =	simm.s32 $0x7;
	s7 =	sshrl.u32 s8, $0x3;
	s9 =	ssub.s32 s20, s9  }
0x10: {  	[dreg:$0x5] =	wrdreg s22;
	s24 =	sshll.u32 s8, $0x4;
	s20 =	simm.s32 $0x0  }
0x11: {  	s0 =	sadd.s32 s7, s0;
	s8 =	sadd.s32 s4, s24;
	s9 =	smax.u32 s9, $0x1  }
0x12: {  	s7 =	sadd.s32 $0x2400, s0;
	s10 =	sadd.s32 $0x800, s8;
	s0 =	sadd.s32 s25, s4  }
0x13: {  	s11 =	sadd.s32 $0x1000, s8;
	s12 =	sadd.s32 $0x1800, s8;
	s25 =	simm.s32 $0x13000  }
0x14: {  	s13 =	sadd.s32 s26, s0;
	s26 =	simm.s32 $0x1;
	s0 =	simm.s32 $0x6  }
.LBB2_1:
0x15: {  	s4 =	rddreg [dreg:$0x5]  }
0x16: {  	[tilespmem:s14], [sflag:$0x9] =	stream.linear.gather [hbm4b:s4+s3], $0x1000, $0x38;
	[tilespmem:$0x17000] =	vst v63  }
0x17: {  	_ =	swait.ge [sflag:s15], $0x1000  }
0x18: {  	[sflag:s15] =	ssyncset.done $0x0  }
0x19: {  	s5 =	simm.s32 $0x2000;
	s24 =	rddreg [dreg:$0x6];
	[sflag:s15] =	ssyncadd.s32 $0xFFFFF000  }
0x1a: {  	[tilespmem:s5], [sflag:$0x9] =	stream.linear.gather [hbm4b:s24+s3], $0x1000, $0x38;
	[tilespmem:$0x17000] =	vst v63  }
0x1b: {  	_ =	swait.ge [sflag:s15], $0x1000  }
0x1c: {  	[sflag:s15] =	ssyncset.done $0x0  }
0x1d: {  	s22 =	simm.s32 $0x0;
	[sflag:s15] =	ssyncadd.s32 $0xFFFFF000  }
0x1e: {  	v7 =	vld [tilespmem:s22+$0x2000]  }
0x1f: {  	v11 =	vld [tilespmem:s22+$0x2010]  }
0x20: {  	v5 =	vld [tilespmem:s22+$0x2020]  }
0x21: {  	v4 =	vld [tilespmem:s22+$0x2030]  }
0x22: {  	v3 =	vld [tilespmem:s22+$0x2040]  }
0x23: {  	v2 =	vld [tilespmem:s22+$0x2050]  }
0x24: {  	v1 =	vld [tilespmem:s22+$0x2060]  }
0x25: {  	v0 =	vld [tilespmem:s22+$0x2070]  }
0x26: {  	v12 =	vld [tilespmem:s22+$0x1000]  }
0x27: {  	v13 =	vld [tilespmem:s22+$0x1010]  }
0x28: {  	v10 =	vld [tilespmem:s22+$0x1020]  }
0x29: {  	v9 =	vld [tilespmem:s22+$0x1030]  }
0x2a: {  	v8 =	vld [tilespmem:s22+$0x1040]  }
0x2b: {  	v6 =	vld [tilespmem:s22+$0x1050];
	v12 =	vadd.f32 v7, v12  }
0x2c: {  	s24 =	simm.s32 $0x200;
	v11 =	vadd.f32 v11, v13;
	v7 =	vld [tilespmem:s22+$0x1060]  }
.LBB2_2:
0x2d: {  	s4 =	sshra.s32 s24, $0x2;
	p0 =	sne.s32 s24, $0x3E00;
	[tilespmem:s22+$0x1000] =	vst v12;
	v5 =	vadd.f32 v5, v10;
	v10 =	vld [tilespmem:s22+$0x1070]  }
0x2e: {  	v12 =	vld [tilespmem:s4+$0x2000];
	[tilespmem:s22+$0x1010] =	vst v11;
	v4 =	vadd.f32 v4, v9  }
0x2f: {  	v11 =	vld [tilespmem:s4+$0x2010];
	[tilespmem:s22+$0x1020] =	vst v5;
	v3 =	vadd.f32 v3, v8  }
0x30: {  	v5 =	vld [tilespmem:s4+$0x2020];
	[tilespmem:s22+$0x1030] =	vst v4;
	v2 =	vadd.f32 v2, v6  }
0x31: {  	v4 =	vld [tilespmem:s4+$0x2030];
	[tilespmem:s22+$0x1040] =	vst v3;
	v1 =	vadd.f32 v1, v7  }
0x32: {  	v3 =	vld [tilespmem:s4+$0x2040];
	[tilespmem:s22+$0x1050] =	vst v2;
	v0 =	vadd.f32 v0, v10  }
0x33: {  	v2 =	vld [tilespmem:s4+$0x2050];
	[tilespmem:s22+$0x1060] =	vst v1  }
0x34: {  	v1 =	vld [tilespmem:s4+$0x2060];
	[tilespmem:s22+$0x1070] =	vst v0;
	s22 =	smov.u32 s4  }
0x35: {  	v0 =	vld [tilespmem:s22+$0x2070]  }
0x36: {  	v6 =	vld [tilespmem:s22+$0x1000]  }
0x37: {  	v7 =	vld [tilespmem:s22+$0x1010]  }
.Ltmp0:
0x38: {  	v10 =	vld [tilespmem:s22+$0x1020];
	(pc) =	sbr.rel @p0 .LBB2_2-.Ltmp0, $4  }
0x39: {  	v9 =	vld [tilespmem:s22+$0x1030]  }
0x3a: {  	v8 =	vld [tilespmem:s22+$0x1040]  }
0x3b: {  	v12 =	vadd.f32 v12, v6;
	v6 =	vld [tilespmem:s22+$0x1050]  }
0x3c: {  	s24 =	sadd.s32 $0x200, s24;
	v11 =	vadd.f32 v11, v7;
	v7 =	vld [tilespmem:s22+$0x1060]  }
0x3d: {  	[tilespmem:s22+$0x1000] =	vst v12;
	v5 =	vadd.f32 v5, v10;
	v63 =	vld [tilespmem:s22+$0x1070]  }
0x3e: {  	[tilespmem:s22+$0x1010] =	vst v11;
	v4 =	vadd.f32 v4, v9  }
0x3f: {  	[tilespmem:s22+$0x1020] =	vst v5;
	v3 =	vadd.f32 v3, v8  }
0x40: {  	[tilespmem:s22+$0x1030] =	vst v4;
	v2 =	vadd.f32 v2, v6  }
0x41: {  	[tilespmem:s22+$0x1040] =	vst v3;
	v1 =	vadd.f32 v1, v7  }
0x42: {  	[tilespmem:s22+$0x1050] =	vst v2;
	v0 =	vadd.f32 v0, v63  }
0x43: {  	[tilespmem:s22+$0x1060] =	vst v1  }
0x44: {  	[tilespmem:s22+$0x1070] =	vst v0  }
0x45: {  	[spmem:s6] =	stream.linear.scatter [tilespmem:s14], [sflag:$0x9], $0x1000, $0x38;
	[tilespmem:$0x17000] =	vst v63  }
0x46: {  	_ =	swait.ge [sflag:s15], $0x1000  }
0x47: {  	[sflag:s15] =	ssyncset.done $0x0  }
0x48: {  	s4 =	simm.s32 $0x0;
	[sflag:s15] =	ssyncadd.s32 $0xFFFFF000  }
0x49: {  	[tilespmem:s17], [sflag:$0x9] =	stream.linear.gather [hbm4b:s7+s4], $0x4000, $0x38;
	[tilespmem:$0x17000] =	vst v63  }
0x4a: {  	_ =	swait.ge [sflag:s15], $0x4000  }
0x4b: {  	[sflag:s15] =	ssyncset.done $0x0  }
0x4c: {  	[sflag:s15] =	ssyncadd.s32 $0xFFFFC000  }
0x4d: {  	[bflag:$0x0] =	sbarrier.arrive $0xFFFF  }
0x4e: {  	[tilespmem:s19], [sflag:$0x1] =	stream.indirect.gather [spmem:s2], $0x80, s17, s18, $0xb8;
	[tilespmem:$0x17000] =	vst v63  }
0x4f: {  	s5 =	simm.s32 $0x3080  }
0x50: {  	[tilespmem:s21], [sflag:$0x2] =	stream.indirect.gather [spmem:s2], $0x80, s5, s18, $0xb8;
	[tilespmem:$0x17000] =	vst v63  }
0x51: {  	s22 =	simm.s32 $0x3100  }
0x52: {  	[tilespmem:s23], [sflag:$0x3] =	stream.indirect.gather [spmem:s2], $0x80, s22, s18, $0xb8;
	[tilespmem:$0x17000] =	vst v63  }
0x53: {  	s24 =	simm.s32 $0x3180  }
0x54: {  	[tilespmem:s25], [sflag:$0x4] =	stream.indirect.gather [spmem:s2], $0x80, s24, s18, $0xb8;
	[tilespmem:$0x17000] =	vst v63  }
0x55: {  	_ =	swait.ge [sflag:s26], $0x4000  }
0x56: {  	[sflag:s26] =	ssyncset.done $0x0  }
0x57: {  	[sflag:s26] =	ssyncadd.s32 $0xFFFFC000  }
0x58: {  	[hbm4b:s8+s4] =	stream.linear.scatter [tilespmem:s19], [sflag:$0x5], $0x4000, $0x38;
	[tilespmem:$0x17000] =	vst v63  }
0x59: {  	_ =	swait.ge [sflag:s28], $0x4000  }
0x5a: {  	[sflag:s28] =	ssyncset.done $0x0  }
0x5b: {  	[sflag:s28] =	ssyncadd.s32 $0xFFFFC000  }
0x5c: {  	[hbm4b:s10+s4] =	stream.linear.scatter [tilespmem:s21], [sflag:$0x6], $0x4000, $0x38;
	[tilespmem:$0x17000] =	vst v63  }
0x5d: {  	_ =	swait.ge [sflag:s29], $0x4000  }
0x5e: {  	[sflag:s29] =	ssyncset.done $0x0  }
0x5f: {  	[sflag:s29] =	ssyncadd.s32 $0xFFFFC000  }
0x60: {  	[hbm4b:s11+s4] =	stream.linear.scatter [tilespmem:s23], [sflag:$0x7], $0x4000, $0x38;
	[tilespmem:$0x17000] =	vst v63  }
0x61: {  	_ =	swait.ge [sflag:s30], $0x4000  }
0x62: {  	[sflag:s30] =	ssyncset.done $0x0  }
0x63: {  	[sflag:s30] =	ssyncadd.s32 $0xFFFFC000  }
0x64: {  	[hbm4b:s12+s4] =	stream.linear.scatter [tilespmem:s25], [sflag:$0x8], $0x4000, $0x38;
	[tilespmem:$0x17000] =	vst v63  }
0x65: {  	_ =	swait.ge [sflag:s31], $0x4000  }
0x66: {  	[sflag:s31] =	ssyncset.done $0x0  }
0x67: {  	s22 =	simm.s32 $0x3200;
	[sflag:s31] =	ssyncadd.s32 $0xFFFFC000  }
0x68: {  	[tilespmem:s19], [sflag:$0x1] =	stream.indirect.gather [spmem:s2], $0x80, s22, s18, $0xb8;
	[tilespmem:$0x17000] =	vst v63  }
0x69: {  	_ =	swait.ge [sflag:s0], $0x4000  }
0x6a: {  	[sflag:s0] =	ssyncset.done $0x0  }
0x6b: {  	s24 =	simm.s32 $0x3280;
	[sflag:s0] =	ssyncadd.s32 $0xFFFFC000  }
0x6c: {  	[tilespmem:s21], [sflag:$0x2] =	stream.indirect.gather [spmem:s2], $0x80, s24, s18, $0xb8;
	[tilespmem:$0x17000] =	vst v63  }
0x6d: {  	_ =	swait.ge [sflag:s1], $0x4000  }
0x6e: {  	[sflag:s1] =	ssyncset.done $0x0  }
0x6f: {  	s5 =	simm.s32 $0x3300;
	[sflag:s1] =	ssyncadd.s32 $0xFFFFC000  }
0x70: {  	[tilespmem:s23], [sflag:$0x3] =	stream.indirect.gather [spmem:s2], $0x80, s5, s18, $0xb8;
	[tilespmem:$0x17000] =	vst v63  }
0x71: {  	_ =	swait.ge [sflag:s16], $0x4000  }
0x72: {  	[sflag:s16] =	ssyncset.done $0x0  }
0x73: {  	s22 =	simm.s32 $0x3380;
	[sflag:s16] =	ssyncadd.s32 $0xFFFFC000  }
0x74: {  	[tilespmem:s25], [sflag:$0x4] =	stream.indirect.gather [spmem:s2], $0x80, s22, s18, $0xb8;
	[tilespmem:$0x17000] =	vst v63  }
0x75: {  	_ =	swait.ge [sflag:s26], $0x4000  }
0x76: {  	s4 =	sadd.s32 $0x0, s13;
	[sflag:s26] =	ssyncset.done $0x0  }
0x77: {  	s24 =	sadd.s32 $0x2000, s4;
	[sflag:s26] =	ssyncadd.s32 $0xFFFFC000  }
0x78: {  	[hbm4b:s24+s3] =	stream.linear.scatter [tilespmem:s19], [sflag:$0x5], $0x4000, $0x38;
	[tilespmem:$0x17000] =	vst v63  }
0x79: {  	_ =	swait.ge [sflag:s28], $0x4000  }
0x7a: {  	[sflag:s28] =	ssyncset.done $0x0  }
0x7b: {  	s5 =	sadd.s32 $0x2800, s4;
	[sflag:s28] =	ssyncadd.s32 $0xFFFFC000  }
0x7c: {  	[hbm4b:s5+s3] =	stream.linear.scatter [tilespmem:s21], [sflag:$0x6], $0x4000, $0x38;
	[tilespmem:$0x17000] =	vst v63  }
0x7d: {  	_ =	swait.ge [sflag:s29], $0x4000  }
0x7e: {  	[sflag:s29] =	ssyncset.done $0x0  }
0x7f: {  	s24 =	sadd.s32 $0x3000, s4;
	[sflag:s29] =	ssyncadd.s32 $0xFFFFC000  }
0x80: {  	[hbm4b:s24+s3] =	stream.linear.scatter [tilespmem:s23], [sflag:$0x7], $0x4000, $0x38;
	[tilespmem:$0x17000] =	vst v63  }
0x81: {  	_ =	swait.ge [sflag:s30], $0x4000  }
0x82: {  	s22 =	simm.s32 $0x2000;
	[sflag:s30] =	ssyncset.done $0x0  }
0x83: {  	s4 =	sadd.s32 $0x3800, s4;
	s24 =	simm.s32 $0x3400;
	[sflag:s30] =	ssyncadd.s32 $0xFFFFC000  }
.LBB2_4:
0x84: {  	[hbm4b:s4+s3] =	stream.linear.scatter [tilespmem:s25], [sflag:$0x8], $0x4000, $0x38;
	[tilespmem:$0x17000] =	vst v63  }
0x85: {  	s4 =	smov.u32 s22  }
0x86: {  	p0 =	sne.s32 s22, $0x3C000;
	s22 =	sadd.s32 $0x2000, s22;
	_ =	swait.ge [sflag:s31], $0x4000  }
0x87: {  	[sflag:s31] =	ssyncset.done $0x0  }
0x88: {  	[sflag:s31] =	ssyncadd.s32 $0xFFFFC000  }
0x89: {  	[tilespmem:s19], [sflag:$0x1] =	stream.indirect.gather [spmem:s2], $0x80, s24, s18, $0xb8;
	[tilespmem:$0x17000] =	vst v63  }
0x8a: {  	_ =	swait.ge [sflag:s0], $0x4000  }
0x8b: {  	[sflag:s0] =	ssyncset.done $0x0  }
0x8c: {  	s5 =	sadd.s32 $0x80, s24;
	[sflag:s0] =	ssyncadd.s32 $0xFFFFC000  }
0x8d: {  	[tilespmem:s21], [sflag:$0x2] =	stream.indirect.gather [spmem:s2], $0x80, s5, s18, $0xb8;
	[tilespmem:$0x17000] =	vst v63  }
0x8e: {  	_ =	swait.ge [sflag:s1], $0x4000  }
0x8f: {  	[sflag:s1] =	ssyncset.done $0x0  }
0x90: {  	s5 =	sadd.s32 $0x100, s24;
	[sflag:s1] =	ssyncadd.s32 $0xFFFFC000  }
0x91: {  	[tilespmem:s23], [sflag:$0x3] =	stream.indirect.gather [spmem:s2], $0x80, s5, s18, $0xb8;
	[tilespmem:$0x17000] =	vst v63  }
0x92: {  	_ =	swait.ge [sflag:s16], $0x4000  }
0x93: {  	[sflag:s16] =	ssyncset.done $0x0  }
0x94: {  	s5 =	sadd.s32 $0x180, s24;
	[sflag:s16] =	ssyncadd.s32 $0xFFFFC000  }
0x95: {  	[tilespmem:s25], [sflag:$0x4] =	stream.indirect.gather [spmem:s2], $0x80, s5, s18, $0xb8;
	[tilespmem:$0x17000] =	vst v63  }
0x96: {  	_ =	swait.ge [sflag:s26], $0x4000  }
0x97: {  	s4 =	sadd.s32 s4, s13;
	[sflag:s26] =	ssyncset.done $0x0  }
0x98: {  	s5 =	sadd.s32 $0x2000, s4;
	[sflag:s26] =	ssyncadd.s32 $0xFFFFC000  }
0x99: {  	[hbm4b:s5+s3] =	stream.linear.scatter [tilespmem:s19], [sflag:$0x5], $0x4000, $0x38;
	[tilespmem:$0x17000] =	vst v63  }
0x9a: {  	_ =	swait.ge [sflag:s28], $0x4000  }
0x9b: {  	[sflag:s28] =	ssyncset.done $0x0  }
0x9c: {  	s5 =	sadd.s32 $0x2800, s4;
	[sflag:s28] =	ssyncadd.s32 $0xFFFFC000  }
0x9d: {  	[hbm4b:s5+s3] =	stream.linear.scatter [tilespmem:s21], [sflag:$0x6], $0x4000, $0x38;
	[tilespmem:$0x17000] =	vst v63  }
0x9e: {  	_ =	swait.ge [sflag:s29], $0x4000  }
0x9f: {  	[sflag:s29] =	ssyncset.done $0x0  }
.Ltmp1:
0xa0: {  	s5 =	sadd.s32 $0x3000, s4;
	[sflag:s29] =	ssyncadd.s32 $0xFFFFC000;
	(pc) =	sbr.rel @p0 .LBB2_4-.Ltmp1, $4  }
0xa1: {  	[hbm4b:s5+s3] =	stream.linear.scatter [tilespmem:s23], [sflag:$0x7], $0x4000, $0x38;
	[tilespmem:$0x17000] =	vst v63  }
0xa2: {  	_ =	swait.ge [sflag:s30], $0x4000  }
0xa3: {  	[sflag:s30] =	ssyncset.done $0x0  }
0xa4: {  	s24 =	sadd.s32 $0x200, s24;
	s4 =	sadd.s32 $0x3800, s4;
	[sflag:s30] =	ssyncadd.s32 $0xFFFFC000  }
0xa5: {  	[hbm4b:s4+s3] =	stream.linear.scatter [tilespmem:s25], [sflag:$0x8], $0x4000, $0x38;
	[tilespmem:$0x17000] =	vst v63  }
0xa6: {  	_ =	swait.ge [sflag:s31], $0x4000  }
0xa7: {  	[sflag:s31] =	ssyncset.done $0x0  }
0xa8: {  	[sflag:s31] =	ssyncadd.s32 $0xFFFFC000  }
0xa9: {  	_ =	swait.ge [sflag:s0], $0x4000  }
0xaa: {  	[sflag:s0] =	ssyncset.done $0x0  }
0xab: {  	s20 =	sadd.s32 $0x1, s20;
	[sflag:s0] =	ssyncadd.s32 $0xFFFFC000  }
0xac: {  	p0 =	sne.s32 s20, s9;
	_ =	swait.ge [sflag:s1], $0x4000  }
.Ltmp2:
0xad: {  	[sflag:s1] =	ssyncset.done $0x0;
	(pc) =	sbr.rel @p0 .LBB2_1-.Ltmp2, $4  }
0xae: {  	[sflag:s1] =	ssyncadd.s32 $0xFFFFC000  }
0xaf: {  	_ =	swait.ge [sflag:s16], $0x4000  }
0xb0: {  	[sflag:s16] =	ssyncset.done $0x0  }
0xb1: {  	[sflag:s16] =	ssyncadd.s32 $0xFFFFC000  }
0xb2: {  	_ =	sfence.sel $0x180000  }
0xb3: {  	[bflag:$0x0] =	sbarrier.arrive $0xFFFF  }
0xb4: {  	_ =	strace $0x90000047  }
0xb5: {  	s0 =	stileid.u32;
	[bflag:$0x2] =	sbarrier.arrive $0xFFFF  }
0xb6: {  	p0 =	sne.s32 s0, $0x0;
	s0 =	rddreg [dreg:$0x4]  }
0xb7: {  	s0 =	sadd.s32 @!p0 $0x100000, s0  }
0xb8: {  	[sflag:s0] =	ssyncadd.tile.s32 @!p0 $0x1;
	_ =	shalt  }
.Lfunc_end2:
_tile_overlayer_lowered:
.L_overlay_start_2:
0xb9: {  	(tag) =	ssettag $0x2  }
0xba: {  	s0 =	rddreg [dreg:$0x0];
	s2 =	stileid.u32  }
0xbb: {  	s1 =	rddreg [dreg:$0x1];
	p0 =	sne.s32 s2, $0x0  }
0xbc: {  	s3 =	rddreg [dreg:$0x2];
	[bflag:$0x3] =	sbarrier.arrive $0xFFFF;
	s2 =	simm.s32 @!p0 $0x1C09  }
0xbd: {  	[timem:s3], [sflag:s2] =	dma.local @!p0 [hbm:s0], s1  }
0xbe: {  	s0 =	simm.s32 @!p0 $0x9  }
0xbf: {  	_ =	swait.ge @!p0 [sflag:s0], s1  }
0xc0: {  	s1 =	ssub.s32 @!p0 $0x0, s1;
	[sflag:s0] =	ssyncset.done @!p0 $0x0  }
0xc1: {  	[sflag:s0] =	ssyncadd.s32 @!p0 s1  }
0xc2: {  	[bflag:$0x3] =	sbarrier.arrive $0xFFFF  }
0xc3: {  	_ =	shalt  }

</sc_bundles>
